<compile_context>
chip_gen: v7x
topology: tpu7x:2x2x1
jax: 0.10.2.dev20260603
libtpu: 0.0.44.dev20260713+nightly
codegen_flags: <defaults>
</compile_context>

<pallas_src>
import functools

import jax
import jax.numpy as jnp
from jax import lax
from jax.experimental import pallas as pl
from jax.experimental.pallas import tpu as pltpu
from jax.experimental.pallas import tpu_sc as plsc

PAD = 0
EOS = 2
NUM_POSITIONS = 8
LANES = 16
UNROLL = 8


@functools.lru_cache(maxsize=None)
def _build(batch: int, seq: int):
    info = plsc.get_sparse_core_info()
    num_cores = 1
    num_workers = num_cores * info.num_subcores
    total = batch * seq
    chunk = total // num_workers
    assert total % num_workers == 0
    assert chunk % (LANES * UNROLL) == 0
    assert seq % chunk == 0
    per_row = seq // chunk
    steps = chunk // (LANES * UNROLL)

    mesh = plsc.VectorSubcoreMesh(
        core_axis_name="c", subcore_axis_name="s", num_cores=num_cores
    )

    @functools.partial(
        pl.kernel,
        mesh=mesh,
        out_type=[
            jax.ShapeDtypeStruct((batch, seq), jnp.int32),
            jax.ShapeDtypeStruct((batch, seq), jnp.int32),
        ],
        scratch_types=[
            pltpu.VMEM((chunk,), jnp.int32),
            pltpu.VMEM((chunk,), jnp.int32),
            pltpu.VMEM((chunk,), jnp.int32),
            pltpu.SemaphoreType.DMA,
        ],
    )
    def run(x_hbm, pos_hbm, beh_hbm, xv, posv, behv, sem):
        wid = lax.axis_index("s") * num_cores + lax.axis_index("c")
        row = wid // per_row
        col0 = (wid % per_row) * chunk
        pltpu.sync_copy(x_hbm.at[row, pl.ds(col0, chunk)], xv)

        iota = lax.iota(jnp.int32, LANES)
        tok_idx = 1 + (iota & 8)
        lane_is_token = (iota & 7) == 1

        def step(i, _):
            for u in range(UNROLL):
                o = i * (LANES * UNROLL) + u * LANES
                v = xv[pl.ds(o, LANES)]
                mask = (v == PAD) | (v == EOS)
                colv = (col0 + o) + iota
                posp = ((colv - 1) & (NUM_POSITIONS - 1)) + 1
                pos = jnp.where(mask | (colv == 0), 0, posp)
                tok = v.at[tok_idx].get(mode="promise_in_bounds")
                mapped = jnp.where((tok >= 10) & (tok <= 13), tok - 9, tok)
                beh = jnp.where(mask | lane_is_token, 0, mapped)
                posv[pl.ds(o, LANES)] = pos
                behv[pl.ds(o, LANES)] = beh
            return 0

        lax.fori_loop(0, steps, step, 0, unroll=False)

        c1 = pltpu.async_copy(posv, pos_hbm.at[row, pl.ds(col0, chunk)], sem)
        c2 = pltpu.async_copy(behv, beh_hbm.at[row, pl.ds(col0, chunk)], sem)
        c1.wait()
        c2.wait()

    return run


def kernel(input_id_sequence):
    batch, seq = input_id_sequence.shape
    run = _build(batch, seq)
    pos, beh = run(input_id_sequence)
    return pos, beh

# --- scband reference (transcript-rebuilt; emitter-appended) ---
"""Pipeline reference for scband-qwen3-session-moe-multi-decoder-router-26740466385681 (READ-ONLY COPY).

The authoritative reference and input builder live on the scoring server;
editing this copy changes nothing except your own understanding.
"""

import jax, jax.numpy as jnp
import numpy as np

NUM_ITEMS = 512
NUM_POSITIONS = 8
EOS = 2
PAD = 0
BOS = 1
BEHAVIOR_MAPS = {10: 0, 11: 1, 12: 2, 13: 3}
USE_USER_TOKEN = True
USE_BEHAVIOR_TOKEN = True
MOE_BEHAVIOR_ONLY = False
BATCH = 4
SEQ_LEN = 4096


def _pre_generated_position_index():
    parts = []
    if USE_USER_TOKEN:
        parts.append(jnp.zeros(1, dtype=jnp.int32))
    if MOE_BEHAVIOR_ONLY:
        if USE_BEHAVIOR_TOKEN:
            base = jnp.array([0] + [1] * (NUM_POSITIONS - 1), dtype=jnp.int32) + 1
        else:
            base = jnp.ones((NUM_POSITIONS,), dtype=jnp.int32)
        parts.append(jnp.tile(base, NUM_ITEMS))
    else:
        parts.append(jnp.tile(jnp.arange(NUM_POSITIONS, dtype=jnp.int32) + 1, NUM_ITEMS))
    parts.append(jnp.zeros(1, dtype=jnp.int32))
    return jnp.concatenate(parts)


def _behavior_token_indices():
    idx = jnp.arange(0, NUM_ITEMS * NUM_POSITIONS, NUM_POSITIONS, dtype=jnp.int32)
    if USE_USER_TOKEN:
        idx = idx + 1
    return idx


def setup_inputs(seed: int = 0) -> dict:
    key = jax.random.key(seed)
    input_id_sequence = jax.random.randint(key, (BATCH, SEQ_LEN), 0, 100000, dtype=jnp.int32)
    return {"input_id_sequence": input_id_sequence}


def reference(input_id_sequence):
    batch_size, seq_length = input_id_sequence.shape
    pre = _pre_generated_position_index()
    position_index = jnp.tile(pre[:seq_length][None, :], (batch_size, 1))
    pad_eos_mask = (input_id_sequence == PAD) | (input_id_sequence == EOS)
    position_index = jnp.where(pad_eos_mask, jnp.int32(0), position_index)

    if seq_length == 1:
        behavior_indices = jnp.zeros((batch_size, 1), dtype=jnp.int32)
    elif USE_BEHAVIOR_TOKEN:
        n_items = (seq_length + NUM_POSITIONS - 2) // NUM_POSITIONS
        bidx = _behavior_token_indices()[:n_items]
        behavior_tokens = input_id_sequence[:, bidx]
        for behavior_token, behavior_emb_id in BEHAVIOR_MAPS.items():
            behavior_tokens = jnp.where(behavior_tokens == behavior_token,
                                        jnp.int32(behavior_emb_id + 1), behavior_tokens)
        rep = jnp.repeat(behavior_tokens, NUM_POSITIONS, axis=1)
        rep = jnp.concatenate([rep, jnp.zeros((batch_size, 1), dtype=rep.dtype)], axis=1)
        rep = rep.at[:, bidx].set(0)
        rep = rep[:, :seq_length]
        rep = jnp.where(pad_eos_mask, jnp.int32(0), rep)
        behavior_indices = rep
    else:
        behavior_indices = jnp.zeros((batch_size, seq_length), dtype=jnp.int32)

    return (position_index, behavior_indices)

if __name__ == "__main__":
    import jax
    _d = setup_inputs()
    print(jax.jit(kernel)(*tuple(_d.values())))

</pallas_src>

<mosaic_0001>
#map = affine_map<(d0, d1) -> (0, 0)>
module attributes {stable_mosaic.version = 14 : i64} {
  func.func @run(%arg0: i32, %arg1: i32, %arg2: memref<4x4096xi32, #tpu.memory_space<hbm>>, %arg3: memref<4x4096xi32, #tpu.memory_space<hbm>>, %arg4: memref<4x4096xi32, #tpu.memory_space<hbm>>, %arg5: memref<1024xi32, #tpu.memory_space<vmem>>, %arg6: memref<1024xi32, #tpu.memory_space<vmem>>, %arg7: memref<1024xi32, #tpu.memory_space<vmem>>, %arg8: memref<!tpu.dma_semaphore, #tpu.memory_space<semaphore_mem>>) attributes {dimension_semantics = [#tpu.dimension_semantics<core_parallel>, #tpu.dimension_semantics<subcore_parallel>], iteration_bounds = array<i64: 1, 16>, scalar_prefetch = 0 : i64, scratch_operands = 4 : i64, tpu.core_type = #tpu.core_type<sc_vector_subcore>, window_params = [{transform_indices = #map}, {transform_indices = #map}, {transform_indices = #map}]} {
    %mul3A = arith.constant 1 : i32
    %mul3A_0 = arith.muli %arg1, %mul3A : i32
    %add3A = arith.addi %mul3A_0, %arg0 : i32
    %jit3A = arith.constant 4 : i32
    %div3A = arith.divsi %add3A, %jit3A : i32
    %sign3A = arith.constant 0 : i32
    %sign3A_1 = arith.cmpi sgt, %add3A, %sign3A : i32
    %sign3A_2 = arith.extui %sign3A_1 : i1 to i32
    %sign3A_3 = arith.constant 0 : i32
    %sign3A_4 = arith.cmpi slt, %add3A, %sign3A_3 : i32
    %sign3A_5 = arith.extui %sign3A_4 : i1 to i32
    %sign3A_6 = arith.subi %sign3A_2, %sign3A_5 : i32
    %sign3A_7 = arith.constant 0 : i32
    %sign3A_8 = arith.cmpi sgt, %jit3A, %sign3A_7 : i32
    %sign3A_9 = arith.extui %sign3A_8 : i1 to i32
    %sign3A_10 = arith.constant 0 : i32
    %sign3A_11 = arith.cmpi slt, %jit3A, %sign3A_10 : i32
    %sign3A_12 = arith.extui %sign3A_11 : i1 to i32
    %sign3A_13 = arith.subi %sign3A_9, %sign3A_12 : i32
    %ne3A = arith.cmpi ne, %sign3A_6, %sign3A_13 : i32
    %rem3A = arith.remsi %add3A, %jit3A : i32
    %ne3A_14 = arith.constant 0 : i32
    %ne3A_15 = arith.cmpi ne, %rem3A, %ne3A_14 : i32
    %and3A = arith.andi %ne3A, %ne3A_15 : i1
    %sub3A = arith.constant 1 : i32
    %sub3A_16 = arith.subi %div3A, %sub3A : i32
    %select_n3A = arith.select %and3A, %sub3A_16, %div3A : i32
    %jit3A_17 = arith.constant 4 : i32
    %eq3A = arith.constant 0 : i32
    %eq3A_18 = arith.cmpi eq, %jit3A_17, %eq3A : i32
    %jit3A_19 = arith.constant 1 : i32
    %select_n3A_20 = arith.select %eq3A_18, %jit3A_19, %jit3A_17 : i32
    %rem3A_21 = arith.remsi %add3A, %select_n3A_20 : i32
    %ne3A_22 = arith.constant 0 : i32
    %ne3A_23 = arith.cmpi ne, %rem3A_21, %ne3A_22 : i32
    %lt3A = arith.constant 0 : i32
    %lt3A_24 = arith.cmpi slt, %rem3A_21, %lt3A : i32
    %lt3A_25 = arith.constant 0 : i32
    %lt3A_26 = arith.cmpi slt, %select_n3A_20, %lt3A_25 : i32
    %ne3A_27 = arith.xori %lt3A_24, %lt3A_26 : i1
    %and3A_28 = arith.andi %ne3A_27, %ne3A_23 : i1
    %add3A_29 = arith.addi %rem3A_21, %select_n3A_20 : i32
    %select_n3A_30 = arith.select %and3A_28, %add3A_29, %rem3A_21 : i32
    %mul3A_31 = arith.constant 1024 : i32
    %mul3A_32 = arith.muli %select_n3A_30, %mul3A_31 : i32
    "tpu.region"() ({
      %run_scoped3A = tpu.sem_alloc : memref<!tpu.dma_semaphore, #tpu.memory_space<semaphore_mem>>
      %dma_start3A_65 = tpu.memref_slice %arg2[%select_n3A, %mul3A_32] : memref<4x4096xi32, #tpu.memory_space<hbm>> -> memref<1x1024xi32, #tpu.memory_space<hbm>>
      %dma_start3A_66 = tpu.memref_squeeze %dma_start3A_65 : memref<1x1024xi32, #tpu.memory_space<hbm>> -> memref<1024xi32, #tpu.memory_space<hbm>>
      %dma_start3A_67 = tpu.memref_slice %arg2[%select_n3A, %mul3A_32] : memref<4x4096xi32, #tpu.memory_space<hbm>> -> memref<1x1024xi32, #tpu.memory_space<hbm>>
      %dma_start3A_68 = tpu.memref_squeeze %dma_start3A_67 : memref<1x1024xi32, #tpu.memory_space<hbm>> -> memref<1024xi32, #tpu.memory_space<hbm>>
      tpu.enqueue_dma source(%dma_start3A_68 : memref<1024xi32, #tpu.memory_space<hbm>>) target(%arg5 : memref<1024xi32, #tpu.memory_space<vmem>>) target_semaphore(%run_scoped3A : memref<!tpu.dma_semaphore, #tpu.memory_space<semaphore_mem>>)
      %dma_wait3A_69 = tpu.memref_slice %arg2[%select_n3A, %mul3A_32] : memref<4x4096xi32, #tpu.memory_space<hbm>> -> memref<1x1024xi32, #tpu.memory_space<hbm>>
      %dma_wait3A_70 = tpu.memref_squeeze %dma_wait3A_69 : memref<1x1024xi32, #tpu.memory_space<hbm>> -> memref<1024xi32, #tpu.memory_space<hbm>>
      %dma_wait3A_71 = tpu.memref_slice %arg2[%select_n3A, %mul3A_32] : memref<4x4096xi32, #tpu.memory_space<hbm>> -> memref<1x1024xi32, #tpu.memory_space<hbm>>
      %dma_wait3A_72 = tpu.memref_squeeze %dma_wait3A_71 : memref<1x1024xi32, #tpu.memory_space<hbm>> -> memref<1024xi32, #tpu.memory_space<hbm>>
      tpu.wait_dma2 semaphore(%run_scoped3A : memref<!tpu.dma_semaphore, #tpu.memory_space<semaphore_mem>>) src(%dma_wait3A_72 : memref<1024xi32, #tpu.memory_space<hbm>>) dst(%arg5 : memref<1024xi32, #tpu.memory_space<vmem>>)
      tpu.yield
    }) : () -> ()
    %iota3A = tpu.iota {dimensions = array<i32: 0>} : vector<16xi32>
    %and3A_33 = arith.constant 8 : i32
    %and3A_34 = vector.broadcast %and3A_33 : i32 to vector<16xi32>
    %and3A_35 = arith.andi %iota3A, %and3A_34 : vector<16xi32>
    %add3A_36 = arith.constant 1 : i32
    %add3A_37 = vector.broadcast %add3A_36 : i32 to vector<16xi32>
    %add3A_38 = arith.addi %add3A_37, %and3A_35 : vector<16xi32>
    %and3A_39 = arith.constant 7 : i32
    %and3A_40 = vector.broadcast %and3A_39 : i32 to vector<16xi32>
    %and3A_41 = arith.andi %iota3A, %and3A_40 : vector<16xi32>
    %eq3A_42 = arith.constant 1 : i32
    %eq3A_43 = vector.broadcast %eq3A_42 : i32 to vector<16xi32>
    %eq3A_44 = arith.cmpi eq, %and3A_41, %eq3A_43 : vector<16xi32>
    %scan3A = arith.constant 0 : i32
    %scan3A_45 = arith.constant 0 : i32
    %scan3A_46 = arith.constant 8 : i32
    %scan3A_47 = arith.addi %scan3A_45, %scan3A_46 : i32
    %scan3A_48 = arith.constant 1 : i32
    %scan3A_49 = scf.for %scan3A_65 = %scan3A_45 to %scan3A_47 step %scan3A_48 iter_args(%scan3A_66 = %scan3A) -> (i32)  : i32 {
      %mul3A_67 = arith.constant 128 : i32
      %mul3A_68 = arith.muli %scan3A_65, %mul3A_67 : i32
      %add3A_69 = arith.constant 0 : i32
      %add3A_70 = arith.addi %mul3A_68, %add3A_69 : i32
      %get3A = arith.index_cast %add3A_70 : i32 to index
      %get3A_71 = tpu.vector_load %arg5[%get3A] {strides = array<i32>} : memref<1024xi32, #tpu.memory_space<vmem>>, vector<16xi32>,
      %get3A_72 = vector.shape_cast %get3A_71 : vector<16xi32> to vector<16xi32>
      %eq3A_73 = arith.constant 0 : i32
      %eq3A_74 = vector.broadcast %eq3A_73 : i32 to vector<16xi32>
      %eq3A_75 = arith.cmpi eq, %get3A_72, %eq3A_74 : vector<16xi32>
      %eq3A_76 = arith.constant 2 : i32
      %eq3A_77 = vector.broadcast %eq3A_76 : i32 to vector<16xi32>
      %eq3A_78 = arith.cmpi eq, %get3A_72, %eq3A_77 : vector<16xi32>
      %or3A = arith.ori %eq3A_75, %eq3A_78 : vector<16xi1>
      %add3A_79 = arith.addi %mul3A_32, %add3A_70 : i32
      %add3A_80 = vector.broadcast %add3A_79 : i32 to vector<16xi32>
      %add3A_81 = arith.addi %add3A_80, %iota3A : vector<16xi32>
      %sub3A_82 = arith.constant 1 : i32
      %sub3A_83 = vector.broadcast %sub3A_82 : i32 to vector<16xi32>
      %sub3A_84 = arith.subi %add3A_81, %sub3A_83 : vector<16xi32>
      %and3A_85 = arith.constant 7 : i32
      %and3A_86 = vector.broadcast %and3A_85 : i32 to vector<16xi32>
      %and3A_87 = arith.andi %sub3A_84, %and3A_86 : vector<16xi32>
      %add3A_88 = arith.constant 1 : i32
      %add3A_89 = vector.broadcast %add3A_88 : i32 to vector<16xi32>
      %add3A_90 = arith.addi %and3A_87, %add3A_89 : vector<16xi32>
      %eq3A_91 = arith.constant 0 : i32
      %eq3A_92 = vector.broadcast %eq3A_91 : i32 to vector<16xi32>
      %eq3A_93 = arith.cmpi eq, %add3A_81, %eq3A_92 : vector<16xi32>
      %or3A_94 = arith.ori %or3A, %eq3A_93 : vector<16xi1>
      %jit3A_95 = arith.constant 0 : i32
      %broadcast_in_dim3A = vector.broadcast %jit3A_95 : i32 to vector<16xi32>
      %select_n3A_96 = arith.select %or3A_94, %broadcast_in_dim3A, %add3A_90 : vector<16xi1>, vector<16xi32>
      %lt3A_97 = arith.constant 0 : i32
      %lt3A_98 = vector.broadcast %lt3A_97 : i32 to vector<16xi32>
      %lt3A_99 = arith.cmpi slt, %add3A_38, %lt3A_98 : vector<16xi32>
      %add3A_100 = arith.constant 16 : i32
      %add3A_101 = vector.broadcast %add3A_100 : i32 to vector<16xi32>
      %add3A_102 = arith.addi %add3A_38, %add3A_101 : vector<16xi32>
      %select_n3A_103 = arith.select %lt3A_99, %add3A_102, %add3A_38 : vector<16xi1>, vector<16xi32>
      %broadcast_in_dim3A_104 = vector.shape_cast %select_n3A_103 : vector<16xi32> to vector<16x1xi32>
      %gather3A = vector.shape_cast %broadcast_in_dim3A_104 : vector<16x1xi32> to vector<16xi32>
      %gather3A_105 = tpu.dynamic_gather %get3A_72[%gather3A] in [0] : vector<16xi32>, vector<16xi32> -> vector<16xi32>
      %ge3A = arith.constant 10 : i32
      %ge3A_106 = vector.broadcast %ge3A : i32 to vector<16xi32>
      %ge3A_107 = arith.cmpi sge, %gather3A_105, %ge3A_106 : vector<16xi32>
      %le3A = arith.constant 13 : i32
      %le3A_108 = vector.broadcast %le3A : i32 to vector<16xi32>
      %le3A_109 = arith.cmpi sle, %gather3A_105, %le3A_108 : vector<16xi32>
      %and3A_110 = arith.andi %ge3A_107, %le3A_109 : vector<16xi1>
      %sub3A_111 = arith.constant 9 : i32
      %sub3A_112 = vector.broadcast %sub3A_111 : i32 to vector<16xi32>
      %sub3A_113 = arith.subi %gather3A_105, %sub3A_112 : vector<16xi32>
      %select_n3A_114 = arith.select %and3A_110, %sub3A_113, %gather3A_105 : vector<16xi1>, vector<16xi32>
      %or3A_115 = arith.ori %or3A, %eq3A_44 : vector<16xi1>
      %jit3A_116 = arith.constant 0 : i32
      %broadcast_in_dim3A_117 = vector.broadcast %jit3A_116 : i32 to vector<16xi32>
      %select_n3A_118 = arith.select %or3A_115, %broadcast_in_dim3A_117, %select_n3A_114 : vector<16xi1>, vector<16xi32>
      %swap3A = arith.index_cast %add3A_70 : i32 to index
      %swap3A_119 = tpu.vector_load %arg6[%swap3A] {strides = array<i32>} : memref<1024xi32, #tpu.memory_space<vmem>>, vector<16xi32>,
      %swap3A_120 = vector.shape_cast %swap3A_119 : vector<16xi32> to vector<16xi32>
      %swap3A_121 = vector.shape_cast %select_n3A_96 : vector<16xi32> to vector<16xi32>
      tpu.vector_store %arg6[%swap3A], %swap3A_121 {strides = array<i32>} : memref<1024xi32, #tpu.memory_space<vmem>>, vector<16xi32>,
      %swap3A_122 = arith.index_cast %add3A_70 : i32 to index
      %swap3A_123 = tpu.vector_load %arg7[%swap3A_122] {strides = array<i32>} : memref<1024xi32, #tpu.memory_space<vmem>>, vector<16xi32>,
      %swap3A_124 = vector.shape_cast %swap3A_123 : vector<16xi32> to vector<16xi32>
      %swap3A_125 = vector.shape_cast %select_n3A_118 : vector<16xi32> to vector<16xi32>
      tpu.vector_store %arg7[%swap3A_122], %swap3A_125 {strides = array<i32>} : memref<1024xi32, #tpu.memory_space<vmem>>, vector<16xi32>,
      %mul3A_126 = arith.constant 128 : i32
      %mul3A_127 = arith.muli %scan3A_65, %mul3A_126 : i32
      %add3A_128 = arith.constant 16 : i32
      %add3A_129 = arith.addi %mul3A_127, %add3A_128 : i32
      %get3A_130 = arith.index_cast %add3A_129 : i32 to index
      %get3A_131 = tpu.vector_load %arg5[%get3A_130] {strides = array<i32>} : memref<1024xi32, #tpu.memory_space<vmem>>, vector<16xi32>,
      %get3A_132 = vector.shape_cast %get3A_131 : vector<16xi32> to vector<16xi32>
      %eq3A_133 = arith.constant 0 : i32
      %eq3A_134 = vector.broadcast %eq3A_133 : i32 to vector<16xi32>
      %eq3A_135 = arith.cmpi eq, %get3A_132, %eq3A_134 : vector<16xi32>
      %eq3A_136 = arith.constant 2 : i32
      %eq3A_137 = vector.broadcast %eq3A_136 : i32 to vector<16xi32>
      %eq3A_138 = arith.cmpi eq, %get3A_132, %eq3A_137 : vector<16xi32>
      %or3A_139 = arith.ori %eq3A_135, %eq3A_138 : vector<16xi1>
      %add3A_140 = arith.addi %mul3A_32, %add3A_129 : i32
      %add3A_141 = vector.broadcast %add3A_140 : i32 to vector<16xi32>
      %add3A_142 = arith.addi %add3A_141, %iota3A : vector<16xi32>
      %sub3A_143 = arith.constant 1 : i32
      %sub3A_144 = vector.broadcast %sub3A_143 : i32 to vector<16xi32>
      %sub3A_145 = arith.subi %add3A_142, %sub3A_144 : vector<16xi32>
      %and3A_146 = arith.constant 7 : i32
      %and3A_147 = vector.broadcast %and3A_146 : i32 to vector<16xi32>
      %and3A_148 = arith.andi %sub3A_145, %and3A_147 : vector<16xi32>
      %add3A_149 = arith.constant 1 : i32
      %add3A_150 = vector.broadcast %add3A_149 : i32 to vector<16xi32>
      %add3A_151 = arith.addi %and3A_148, %add3A_150 : vector<16xi32>
      %eq3A_152 = arith.constant 0 : i32
      %eq3A_153 = vector.broadcast %eq3A_152 : i32 to vector<16xi32>
      %eq3A_154 = arith.cmpi eq, %add3A_142, %eq3A_153 : vector<16xi32>
      %or3A_155 = arith.ori %or3A_139, %eq3A_154 : vector<16xi1>
      %jit3A_156 = arith.constant 0 : i32
      %broadcast_in_dim3A_157 = vector.broadcast %jit3A_156 : i32 to vector<16xi32>
      %select_n3A_158 = arith.select %or3A_155, %broadcast_in_dim3A_157, %add3A_151 : vector<16xi1>, vector<16xi32>
      %lt3A_159 = arith.constant 0 : i32
      %lt3A_160 = vector.broadcast %lt3A_159 : i32 to vector<16xi32>
      %lt3A_161 = arith.cmpi slt, %add3A_38, %lt3A_160 : vector<16xi32>
      %add3A_162 = arith.constant 16 : i32
      %add3A_163 = vector.broadcast %add3A_162 : i32 to vector<16xi32>
      %add3A_164 = arith.addi %add3A_38, %add3A_163 : vector<16xi32>
      %select_n3A_165 = arith.select %lt3A_161, %add3A_164, %add3A_38 : vector<16xi1>, vector<16xi32>
      %broadcast_in_dim3A_166 = vector.shape_cast %select_n3A_165 : vector<16xi32> to vector<16x1xi32>
      %gather3A_167 = vector.shape_cast %broadcast_in_dim3A_166 : vector<16x1xi32> to vector<16xi32>
      %gather3A_168 = tpu.dynamic_gather %get3A_132[%gather3A_167] in [0] : vector<16xi32>, vector<16xi32> -> vector<16xi32>
      %ge3A_169 = arith.constant 10 : i32
      %ge3A_170 = vector.broadcast %ge3A_169 : i32 to vector<16xi32>
      %ge3A_171 = arith.cmpi sge, %gather3A_168, %ge3A_170 : vector<16xi32>
      %le3A_172 = arith.constant 13 : i32
      %le3A_173 = vector.broadcast %le3A_172 : i32 to vector<16xi32>
      %le3A_174 = arith.cmpi sle, %gather3A_168, %le3A_173 : vector<16xi32>
      %and3A_175 = arith.andi %ge3A_171, %le3A_174 : vector<16xi1>
      %sub3A_176 = arith.constant 9 : i32
      %sub3A_177 = vector.broadcast %sub3A_176 : i32 to vector<16xi32>
      %sub3A_178 = arith.subi %gather3A_168, %sub3A_177 : vector<16xi32>
      %select_n3A_179 = arith.select %and3A_175, %sub3A_178, %gather3A_168 : vector<16xi1>, vector<16xi32>
      %or3A_180 = arith.ori %or3A_139, %eq3A_44 : vector<16xi1>
      %jit3A_181 = arith.constant 0 : i32
      %broadcast_in_dim3A_182 = vector.broadcast %jit3A_181 : i32 to vector<16xi32>
      %select_n3A_183 = arith.select %or3A_180, %broadcast_in_dim3A_182, %select_n3A_179 : vector<16xi1>, vector<16xi32>
      %swap3A_184 = arith.index_cast %add3A_129 : i32 to index
      %swap3A_185 = tpu.vector_load %arg6[%swap3A_184] {strides = array<i32>} : memref<1024xi32, #tpu.memory_space<vmem>>, vector<16xi32>,
      %swap3A_186 = vector.shape_cast %swap3A_185 : vector<16xi32> to vector<16xi32>
      %swap3A_187 = vector.shape_cast %select_n3A_158 : vector<16xi32> to vector<16xi32>
      tpu.vector_store %arg6[%swap3A_184], %swap3A_187 {strides = array<i32>} : memref<1024xi32, #tpu.memory_space<vmem>>, vector<16xi32>,
      %swap3A_188 = arith.index_cast %add3A_129 : i32 to index
      %swap3A_189 = tpu.vector_load %arg7[%swap3A_188] {strides = array<i32>} : memref<1024xi32, #tpu.memory_space<vmem>>, vector<16xi32>,
      %swap3A_190 = vector.shape_cast %swap3A_189 : vector<16xi32> to vector<16xi32>
      %swap3A_191 = vector.shape_cast %select_n3A_183 : vector<16xi32> to vector<16xi32>
      tpu.vector_store %arg7[%swap3A_188], %swap3A_191 {strides = array<i32>} : memref<1024xi32, #tpu.memory_space<vmem>>, vector<16xi32>,
      %mul3A_192 = arith.constant 128 : i32
      %mul3A_193 = arith.muli %scan3A_65, %mul3A_192 : i32
      %add3A_194 = arith.constant 32 : i32
      %add3A_195 = arith.addi %mul3A_193, %add3A_194 : i32
      %get3A_196 = arith.index_cast %add3A_195 : i32 to index
      %get3A_197 = tpu.vector_load %arg5[%get3A_196] {strides = array<i32>} : memref<1024xi32, #tpu.memory_space<vmem>>, vector<16xi32>,
      %get3A_198 = vector.shape_cast %get3A_197 : vector<16xi32> to vector<16xi32>
      %eq3A_199 = arith.constant 0 : i32
      %eq3A_200 = vector.broadcast %eq3A_199 : i32 to vector<16xi32>
      %eq3A_201 = arith.cmpi eq, %get3A_198, %eq3A_200 : vector<16xi32>
      %eq3A_202 = arith.constant 2 : i32
      %eq3A_203 = vector.broadcast %eq3A_202 : i32 to vector<16xi32>
      %eq3A_204 = arith.cmpi eq, %get3A_198, %eq3A_203 : vector<16xi32>
      %or3A_205 = arith.ori %eq3A_201, %eq3A_204 : vector<16xi1>
      %add3A_206 = arith.addi %mul3A_32, %add3A_195 : i32
      %add3A_207 = vector.broadcast %add3A_206 : i32 to vector<16xi32>
      %add3A_208 = arith.addi %add3A_207, %iota3A : vector<16xi32>
      %sub3A_209 = arith.constant 1 : i32
      %sub3A_210 = vector.broadcast %sub3A_209 : i32 to vector<16xi32>
      %sub3A_211 = arith.subi %add3A_208, %sub3A_210 : vector<16xi32>
      %and3A_212 = arith.constant 7 : i32
      %and3A_213 = vector.broadcast %and3A_212 : i32 to vector<16xi32>
      %and3A_214 = arith.andi %sub3A_211, %and3A_213 : vector<16xi32>
      %add3A_215 = arith.constant 1 : i32
      %add3A_216 = vector.broadcast %add3A_215 : i32 to vector<16xi32>
      %add3A_217 = arith.addi %and3A_214, %add3A_216 : vector<16xi32>
      %eq3A_218 = arith.constant 0 : i32
      %eq3A_219 = vector.broadcast %eq3A_218 : i32 to vector<16xi32>
      %eq3A_220 = arith.cmpi eq, %add3A_208, %eq3A_219 : vector<16xi32>
      %or3A_221 = arith.ori %or3A_205, %eq3A_220 : vector<16xi1>
      %jit3A_222 = arith.constant 0 : i32
      %broadcast_in_dim3A_223 = vector.broadcast %jit3A_222 : i32 to vector<16xi32>
      %select_n3A_224 = arith.select %or3A_221, %broadcast_in_dim3A_223, %add3A_217 : vector<16xi1>, vector<16xi32>
      %lt3A_225 = arith.constant 0 : i32
      %lt3A_226 = vector.broadcast %lt3A_225 : i32 to vector<16xi32>
      %lt3A_227 = arith.cmpi slt, %add3A_38, %lt3A_226 : vector<16xi32>
      %add3A_228 = arith.constant 16 : i32
      %add3A_229 = vector.broadcast %add3A_228 : i32 to vector<16xi32>
      %add3A_230 = arith.addi %add3A_38, %add3A_229 : vector<16xi32>
      %select_n3A_231 = arith.select %lt3A_227, %add3A_230, %add3A_38 : vector<16xi1>, vector<16xi32>
      %broadcast_in_dim3A_232 = vector.shape_cast %select_n3A_231 : vector<16xi32> to vector<16x1xi32>
      %gather3A_233 = vector.shape_cast %broadcast_in_dim3A_232 : vector<16x1xi32> to vector<16xi32>
      %gather3A_234 = tpu.dynamic_gather %get3A_198[%gather3A_233] in [0] : vector<16xi32>, vector<16xi32> -> vector<16xi32>
      %ge3A_235 = arith.constant 10 : i32
      %ge3A_236 = vector.broadcast %ge3A_235 : i32 to vector<16xi32>
      %ge3A_237 = arith.cmpi sge, %gather3A_234, %ge3A_236 : vector<16xi32>
      %le3A_238 = arith.constant 13 : i32
      %le3A_239 = vector.broadcast %le3A_238 : i32 to vector<16xi32>
      %le3A_240 = arith.cmpi sle, %gather3A_234, %le3A_239 : vector<16xi32>
      %and3A_241 = arith.andi %ge3A_237, %le3A_240 : vector<16xi1>
      %sub3A_242 = arith.constant 9 : i32
      %sub3A_243 = vector.broadcast %sub3A_242 : i32 to vector<16xi32>
      %sub3A_244 = arith.subi %gather3A_234, %sub3A_243 : vector<16xi32>
      %select_n3A_245 = arith.select %and3A_241, %sub3A_244, %gather3A_234 : vector<16xi1>, vector<16xi32>
      %or3A_246 = arith.ori %or3A_205, %eq3A_44 : vector<16xi1>
      %jit3A_247 = arith.constant 0 : i32
      %broadcast_in_dim3A_248 = vector.broadcast %jit3A_247 : i32 to vector<16xi32>
      %select_n3A_249 = arith.select %or3A_246, %broadcast_in_dim3A_248, %select_n3A_245 : vector<16xi1>, vector<16xi32>
      %swap3A_250 = arith.index_cast %add3A_195 : i32 to index
      %swap3A_251 = tpu.vector_load %arg6[%swap3A_250] {strides = array<i32>} : memref<1024xi32, #tpu.memory_space<vmem>>, vector<16xi32>,
      %swap3A_252 = vector.shape_cast %swap3A_251 : vector<16xi32> to vector<16xi32>
      %swap3A_253 = vector.shape_cast %select_n3A_224 : vector<16xi32> to vector<16xi32>
      tpu.vector_store %arg6[%swap3A_250], %swap3A_253 {strides = array<i32>} : memref<1024xi32, #tpu.memory_space<vmem>>, vector<16xi32>,
      %swap3A_254 = arith.index_cast %add3A_195 : i32 to index
      %swap3A_255 = tpu.vector_load %arg7[%swap3A_254] {strides = array<i32>} : memref<1024xi32, #tpu.memory_space<vmem>>, vector<16xi32>,
      %swap3A_256 = vector.shape_cast %swap3A_255 : vector<16xi32> to vector<16xi32>
      %swap3A_257 = vector.shape_cast %select_n3A_249 : vector<16xi32> to vector<16xi32>
      tpu.vector_store %arg7[%swap3A_254], %swap3A_257 {strides = array<i32>} : memref<1024xi32, #tpu.memory_space<vmem>>, vector<16xi32>,
      %mul3A_258 = arith.constant 128 : i32
      %mul3A_259 = arith.muli %scan3A_65, %mul3A_258 : i32
      %add3A_260 = arith.constant 48 : i32
      %add3A_261 = arith.addi %mul3A_259, %add3A_260 : i32
      %get3A_262 = arith.index_cast %add3A_261 : i32 to index
      %get3A_263 = tpu.vector_load %arg5[%get3A_262] {strides = array<i32>} : memref<1024xi32, #tpu.memory_space<vmem>>, vector<16xi32>,
      %get3A_264 = vector.shape_cast %get3A_263 : vector<16xi32> to vector<16xi32>
      %eq3A_265 = arith.constant 0 : i32
      %eq3A_266 = vector.broadcast %eq3A_265 : i32 to vector<16xi32>
      %eq3A_267 = arith.cmpi eq, %get3A_264, %eq3A_266 : vector<16xi32>
      %eq3A_268 = arith.constant 2 : i32
      %eq3A_269 = vector.broadcast %eq3A_268 : i32 to vector<16xi32>
      %eq3A_270 = arith.cmpi eq, %get3A_264, %eq3A_269 : vector<16xi32>
      %or3A_271 = arith.ori %eq3A_267, %eq3A_270 : vector<16xi1>
      %add3A_272 = arith.addi %mul3A_32, %add3A_261 : i32
      %add3A_273 = vector.broadcast %add3A_272 : i32 to vector<16xi32>
      %add3A_274 = arith.addi %add3A_273, %iota3A : vector<16xi32>
      %sub3A_275 = arith.constant 1 : i32
      %sub3A_276 = vector.broadcast %sub3A_275 : i32 to vector<16xi32>
      %sub3A_277 = arith.subi %add3A_274, %sub3A_276 : vector<16xi32>
      %and3A_278 = arith.constant 7 : i32
      %and3A_279 = vector.broadcast %and3A_278 : i32 to vector<16xi32>
      %and3A_280 = arith.andi %sub3A_277, %and3A_279 : vector<16xi32>
      %add3A_281 = arith.constant 1 : i32
      %add3A_282 = vector.broadcast %add3A_281 : i32 to vector<16xi32>
      %add3A_283 = arith.addi %and3A_280, %add3A_282 : vector<16xi32>
      %eq3A_284 = arith.constant 0 : i32
      %eq3A_285 = vector.broadcast %eq3A_284 : i32 to vector<16xi32>
      %eq3A_286 = arith.cmpi eq, %add3A_274, %eq3A_285 : vector<16xi32>
      %or3A_287 = arith.ori %or3A_271, %eq3A_286 : vector<16xi1>
      %jit3A_288 = arith.constant 0 : i32
      %broadcast_in_dim3A_289 = vector.broadcast %jit3A_288 : i32 to vector<16xi32>
      %select_n3A_290 = arith.select %or3A_287, %broadcast_in_dim3A_289, %add3A_283 : vector<16xi1>, vector<16xi32>
      %lt3A_291 = arith.constant 0 : i32
      %lt3A_292 = vector.broadcast %lt3A_291 : i32 to vector<16xi32>
      %lt3A_293 = arith.cmpi slt, %add3A_38, %lt3A_292 : vector<16xi32>
      %add3A_294 = arith.constant 16 : i32
      %add3A_295 = vector.broadcast %add3A_294 : i32 to vector<16xi32>
      %add3A_296 = arith.addi %add3A_38, %add3A_295 : vector<16xi32>
      %select_n3A_297 = arith.select %lt3A_293, %add3A_296, %add3A_38 : vector<16xi1>, vector<16xi32>
      %broadcast_in_dim3A_298 = vector.shape_cast %select_n3A_297 : vector<16xi32> to vector<16x1xi32>
      %gather3A_299 = vector.shape_cast %broadcast_in_dim3A_298 : vector<16x1xi32> to vector<16xi32>
      %gather3A_300 = tpu.dynamic_gather %get3A_264[%gather3A_299] in [0] : vector<16xi32>, vector<16xi32> -> vector<16xi32>
      %ge3A_301 = arith.constant 10 : i32
      %ge3A_302 = vector.broadcast %ge3A_301 : i32 to vector<16xi32>
      %ge3A_303 = arith.cmpi sge, %gather3A_300, %ge3A_302 : vector<16xi32>
      %le3A_304 = arith.constant 13 : i32
      %le3A_305 = vector.broadcast %le3A_304 : i32 to vector<16xi32>
      %le3A_306 = arith.cmpi sle, %gather3A_300, %le3A_305 : vector<16xi32>
      %and3A_307 = arith.andi %ge3A_303, %le3A_306 : vector<16xi1>
      %sub3A_308 = arith.constant 9 : i32
      %sub3A_309 = vector.broadcast %sub3A_308 : i32 to vector<16xi32>
      %sub3A_310 = arith.subi %gather3A_300, %sub3A_309 : vector<16xi32>
      %select_n3A_311 = arith.select %and3A_307, %sub3A_310, %gather3A_300 : vector<16xi1>, vector<16xi32>
      %or3A_312 = arith.ori %or3A_271, %eq3A_44 : vector<16xi1>
      %jit3A_313 = arith.constant 0 : i32
      %broadcast_in_dim3A_314 = vector.broadcast %jit3A_313 : i32 to vector<16xi32>
      %select_n3A_315 = arith.select %or3A_312, %broadcast_in_dim3A_314, %select_n3A_311 : vector<16xi1>, vector<16xi32>
      %swap3A_316 = arith.index_cast %add3A_261 : i32 to index
      %swap3A_317 = tpu.vector_load %arg6[%swap3A_316] {strides = array<i32>} : memref<1024xi32, #tpu.memory_space<vmem>>, vector<16xi32>,
      %swap3A_318 = vector.shape_cast %swap3A_317 : vector<16xi32> to vector<16xi32>
      %swap3A_319 = vector.shape_cast %select_n3A_290 : vector<16xi32> to vector<16xi32>
      tpu.vector_store %arg6[%swap3A_316], %swap3A_319 {strides = array<i32>} : memref<1024xi32, #tpu.memory_space<vmem>>, vector<16xi32>,
      %swap3A_320 = arith.index_cast %add3A_261 : i32 to index
      %swap3A_321 = tpu.vector_load %arg7[%swap3A_320] {strides = array<i32>} : memref<1024xi32, #tpu.memory_space<vmem>>, vector<16xi32>,
      %swap3A_322 = vector.shape_cast %swap3A_321 : vector<16xi32> to vector<16xi32>
      %swap3A_323 = vector.shape_cast %select_n3A_315 : vector<16xi32> to vector<16xi32>
      tpu.vector_store %arg7[%swap3A_320], %swap3A_323 {strides = array<i32>} : memref<1024xi32, #tpu.memory_space<vmem>>, vector<16xi32>,
      %mul3A_324 = arith.constant 128 : i32
      %mul3A_325 = arith.muli %scan3A_65, %mul3A_324 : i32
      %add3A_326 = arith.constant 64 : i32
      %add3A_327 = arith.addi %mul3A_325, %add3A_326 : i32
      %get3A_328 = arith.index_cast %add3A_327 : i32 to index
      %get3A_329 = tpu.vector_load %arg5[%get3A_328] {strides = array<i32>} : memref<1024xi32, #tpu.memory_space<vmem>>, vector<16xi32>,
      %get3A_330 = vector.shape_cast %get3A_329 : vector<16xi32> to vector<16xi32>
      %eq3A_331 = arith.constant 0 : i32
      %eq3A_332 = vector.broadcast %eq3A_331 : i32 to vector<16xi32>
      %eq3A_333 = arith.cmpi eq, %get3A_330, %eq3A_332 : vector<16xi32>
      %eq3A_334 = arith.constant 2 : i32
      %eq3A_335 = vector.broadcast %eq3A_334 : i32 to vector<16xi32>
      %eq3A_336 = arith.cmpi eq, %get3A_330, %eq3A_335 : vector<16xi32>
      %or3A_337 = arith.ori %eq3A_333, %eq3A_336 : vector<16xi1>
      %add3A_338 = arith.addi %mul3A_32, %add3A_327 : i32
      %add3A_339 = vector.broadcast %add3A_338 : i32 to vector<16xi32>
      %add3A_340 = arith.addi %add3A_339, %iota3A : vector<16xi32>
      %sub3A_341 = arith.constant 1 : i32
      %sub3A_342 = vector.broadcast %sub3A_341 : i32 to vector<16xi32>
      %sub3A_343 = arith.subi %add3A_340, %sub3A_342 : vector<16xi32>
      %and3A_344 = arith.constant 7 : i32
      %and3A_345 = vector.broadcast %and3A_344 : i32 to vector<16xi32>
      %and3A_346 = arith.andi %sub3A_343, %and3A_345 : vector<16xi32>
      %add3A_347 = arith.constant 1 : i32
      %add3A_348 = vector.broadcast %add3A_347 : i32 to vector<16xi32>
      %add3A_349 = arith.addi %and3A_346, %add3A_348 : vector<16xi32>
      %eq3A_350 = arith.constant 0 : i32
      %eq3A_351 = vector.broadcast %eq3A_350 : i32 to vector<16xi32>
      %eq3A_352 = arith.cmpi eq, %add3A_340, %eq3A_351 : vector<16xi32>
      %or3A_353 = arith.ori %or3A_337, %eq3A_352 : vector<16xi1>
      %jit3A_354 = arith.constant 0 : i32
      %broadcast_in_dim3A_355 = vector.broadcast %jit3A_354 : i32 to vector<16xi32>
      %select_n3A_356 = arith.select %or3A_353, %broadcast_in_dim3A_355, %add3A_349 : vector<16xi1>, vector<16xi32>
      %lt3A_357 = arith.constant 0 : i32
      %lt3A_358 = vector.broadcast %lt3A_357 : i32 to vector<16xi32>
      %lt3A_359 = arith.cmpi slt, %add3A_38, %lt3A_358 : vector<16xi32>
      %add3A_360 = arith.constant 16 : i32
      %add3A_361 = vector.broadcast %add3A_360 : i32 to vector<16xi32>
      %add3A_362 = arith.addi %add3A_38, %add3A_361 : vector<16xi32>
      %select_n3A_363 = arith.select %lt3A_359, %add3A_362, %add3A_38 : vector<16xi1>, vector<16xi32>
      %broadcast_in_dim3A_364 = vector.shape_cast %select_n3A_363 : vector<16xi32> to vector<16x1xi32>
      %gather3A_365 = vector.shape_cast %broadcast_in_dim3A_364 : vector<16x1xi32> to vector<16xi32>
      %gather3A_366 = tpu.dynamic_gather %get3A_330[%gather3A_365] in [0] : vector<16xi32>, vector<16xi32> -> vector<16xi32>
      %ge3A_367 = arith.constant 10 : i32
      %ge3A_368 = vector.broadcast %ge3A_367 : i32 to vector<16xi32>
      %ge3A_369 = arith.cmpi sge, %gather3A_366, %ge3A_368 : vector<16xi32>
      %le3A_370 = arith.constant 13 : i32
      %le3A_371 = vector.broadcast %le3A_370 : i32 to vector<16xi32>
      %le3A_372 = arith.cmpi sle, %gather3A_366, %le3A_371 : vector<16xi32>
      %and3A_373 = arith.andi %ge3A_369, %le3A_372 : vector<16xi1>
      %sub3A_374 = arith.constant 9 : i32
      %sub3A_375 = vector.broadcast %sub3A_374 : i32 to vector<16xi32>
      %sub3A_376 = arith.subi %gather3A_366, %sub3A_375 : vector<16xi32>
      %select_n3A_377 = arith.select %and3A_373, %sub3A_376, %gather3A_366 : vector<16xi1>, vector<16xi32>
      %or3A_378 = arith.ori %or3A_337, %eq3A_44 : vector<16xi1>
      %jit3A_379 = arith.constant 0 : i32
      %broadcast_in_dim3A_380 = vector.broadcast %jit3A_379 : i32 to vector<16xi32>
      %select_n3A_381 = arith.select %or3A_378, %broadcast_in_dim3A_380, %select_n3A_377 : vector<16xi1>, vector<16xi32>
      %swap3A_382 = arith.index_cast %add3A_327 : i32 to index
      %swap3A_383 = tpu.vector_load %arg6[%swap3A_382] {strides = array<i32>} : memref<1024xi32, #tpu.memory_space<vmem>>, vector<16xi32>,
      %swap3A_384 = vector.shape_cast %swap3A_383 : vector<16xi32> to vector<16xi32>
      %swap3A_385 = vector.shape_cast %select_n3A_356 : vector<16xi32> to vector<16xi32>
      tpu.vector_store %arg6[%swap3A_382], %swap3A_385 {strides = array<i32>} : memref<1024xi32, #tpu.memory_space<vmem>>, vector<16xi32>,
      %swap3A_386 = arith.index_cast %add3A_327 : i32 to index
      %swap3A_387 = tpu.vector_load %arg7[%swap3A_386] {strides = array<i32>} : memref<1024xi32, #tpu.memory_space<vmem>>, vector<16xi32>,
      %swap3A_388 = vector.shape_cast %swap3A_387 : vector<16xi32> to vector<16xi32>
      %swap3A_389 = vector.shape_cast %select_n3A_381 : vector<16xi32> to vector<16xi32>
      tpu.vector_store %arg7[%swap3A_386], %swap3A_389 {strides = array<i32>} : memref<1024xi32, #tpu.memory_space<vmem>>, vector<16xi32>,
      %mul3A_390 = arith.constant 128 : i32
      %mul3A_391 = arith.muli %scan3A_65, %mul3A_390 : i32
      %add3A_392 = arith.constant 80 : i32
      %add3A_393 = arith.addi %mul3A_391, %add3A_392 : i32
      %get3A_394 = arith.index_cast %add3A_393 : i32 to index
      %get3A_395 = tpu.vector_load %arg5[%get3A_394] {strides = array<i32>} : memref<1024xi32, #tpu.memory_space<vmem>>, vector<16xi32>,
      %get3A_396 = vector.shape_cast %get3A_395 : vector<16xi32> to vector<16xi32>
      %eq3A_397 = arith.constant 0 : i32
      %eq3A_398 = vector.broadcast %eq3A_397 : i32 to vector<16xi32>
      %eq3A_399 = arith.cmpi eq, %get3A_396, %eq3A_398 : vector<16xi32>
      %eq3A_400 = arith.constant 2 : i32
      %eq3A_401 = vector.broadcast %eq3A_400 : i32 to vector<16xi32>
      %eq3A_402 = arith.cmpi eq, %get3A_396, %eq3A_401 : vector<16xi32>
      %or3A_403 = arith.ori %eq3A_399, %eq3A_402 : vector<16xi1>
      %add3A_404 = arith.addi %mul3A_32, %add3A_393 : i32
      %add3A_405 = vector.broadcast %add3A_404 : i32 to vector<16xi32>
      %add3A_406 = arith.addi %add3A_405, %iota3A : vector<16xi32>
      %sub3A_407 = arith.constant 1 : i32
      %sub3A_408 = vector.broadcast %sub3A_407 : i32 to vector<16xi32>
      %sub3A_409 = arith.subi %add3A_406, %sub3A_408 : vector<16xi32>
      %and3A_410 = arith.constant 7 : i32
      %and3A_411 = vector.broadcast %and3A_410 : i32 to vector<16xi32>
      %and3A_412 = arith.andi %sub3A_409, %and3A_411 : vector<16xi32>
      %add3A_413 = arith.constant 1 : i32
      %add3A_414 = vector.broadcast %add3A_413 : i32 to vector<16xi32>
      %add3A_415 = arith.addi %and3A_412, %add3A_414 : vector<16xi32>
      %eq3A_416 = arith.constant 0 : i32
      %eq3A_417 = vector.broadcast %eq3A_416 : i32 to vector<16xi32>
      %eq3A_418 = arith.cmpi eq, %add3A_406, %eq3A_417 : vector<16xi32>
      %or3A_419 = arith.ori %or3A_403, %eq3A_418 : vector<16xi1>
      %jit3A_420 = arith.constant 0 : i32
      %broadcast_in_dim3A_421 = vector.broadcast %jit3A_420 : i32 to vector<16xi32>
      %select_n3A_422 = arith.select %or3A_419, %broadcast_in_dim3A_421, %add3A_415 : vector<16xi1>, vector<16xi32>
      %lt3A_423 = arith.constant 0 : i32
      %lt3A_424 = vector.broadcast %lt3A_423 : i32 to vector<16xi32>
      %lt3A_425 = arith.cmpi slt, %add3A_38, %lt3A_424 : vector<16xi32>
      %add3A_426 = arith.constant 16 : i32
      %add3A_427 = vector.broadcast %add3A_426 : i32 to vector<16xi32>
      %add3A_428 = arith.addi %add3A_38, %add3A_427 : vector<16xi32>
      %select_n3A_429 = arith.select %lt3A_425, %add3A_428, %add3A_38 : vector<16xi1>, vector<16xi32>
      %broadcast_in_dim3A_430 = vector.shape_cast %select_n3A_429 : vector<16xi32> to vector<16x1xi32>
      %gather3A_431 = vector.shape_cast %broadcast_in_dim3A_430 : vector<16x1xi32> to vector<16xi32>
      %gather3A_432 = tpu.dynamic_gather %get3A_396[%gather3A_431] in [0] : vector<16xi32>, vector<16xi32> -> vector<16xi32>
      %ge3A_433 = arith.constant 10 : i32
      %ge3A_434 = vector.broadcast %ge3A_433 : i32 to vector<16xi32>
      %ge3A_435 = arith.cmpi sge, %gather3A_432, %ge3A_434 : vector<16xi32>
      %le3A_436 = arith.constant 13 : i32
      %le3A_437 = vector.broadcast %le3A_436 : i32 to vector<16xi32>
      %le3A_438 = arith.cmpi sle, %gather3A_432, %le3A_437 : vector<16xi32>
      %and3A_439 = arith.andi %ge3A_435, %le3A_438 : vector<16xi1>
      %sub3A_440 = arith.constant 9 : i32
      %sub3A_441 = vector.broadcast %sub3A_440 : i32 to vector<16xi32>
      %sub3A_442 = arith.subi %gather3A_432, %sub3A_441 : vector<16xi32>
      %select_n3A_443 = arith.select %and3A_439, %sub3A_442, %gather3A_432 : vector<16xi1>, vector<16xi32>
      %or3A_444 = arith.ori %or3A_403, %eq3A_44 : vector<16xi1>
      %jit3A_445 = arith.constant 0 : i32
      %broadcast_in_dim3A_446 = vector.broadcast %jit3A_445 : i32 to vector<16xi32>
      %select_n3A_447 = arith.select %or3A_444, %broadcast_in_dim3A_446, %select_n3A_443 : vector<16xi1>, vector<16xi32>
      %swap3A_448 = arith.index_cast %add3A_393 : i32 to index
      %swap3A_449 = tpu.vector_load %arg6[%swap3A_448] {strides = array<i32>} : memref<1024xi32, #tpu.memory_space<vmem>>, vector<16xi32>,
      %swap3A_450 = vector.shape_cast %swap3A_449 : vector<16xi32> to vector<16xi32>
      %swap3A_451 = vector.shape_cast %select_n3A_422 : vector<16xi32> to vector<16xi32>
      tpu.vector_store %arg6[%swap3A_448], %swap3A_451 {strides = array<i32>} : memref<1024xi32, #tpu.memory_space<vmem>>, vector<16xi32>,
      %swap3A_452 = arith.index_cast %add3A_393 : i32 to index
      %swap3A_453 = tpu.vector_load %arg7[%swap3A_452] {strides = array<i32>} : memref<1024xi32, #tpu.memory_space<vmem>>, vector<16xi32>,
      %swap3A_454 = vector.shape_cast %swap3A_453 : vector<16xi32> to vector<16xi32>
      %swap3A_455 = vector.shape_cast %select_n3A_447 : vector<16xi32> to vector<16xi32>
      tpu.vector_store %arg7[%swap3A_452], %swap3A_455 {strides = array<i32>} : memref<1024xi32, #tpu.memory_space<vmem>>, vector<16xi32>,
      %mul3A_456 = arith.constant 128 : i32
      %mul3A_457 = arith.muli %scan3A_65, %mul3A_456 : i32
      %add3A_458 = arith.constant 96 : i32
      %add3A_459 = arith.addi %mul3A_457, %add3A_458 : i32
      %get3A_460 = arith.index_cast %add3A_459 : i32 to index
      %get3A_461 = tpu.vector_load %arg5[%get3A_460] {strides = array<i32>} : memref<1024xi32, #tpu.memory_space<vmem>>, vector<16xi32>,
      %get3A_462 = vector.shape_cast %get3A_461 : vector<16xi32> to vector<16xi32>
      %eq3A_463 = arith.constant 0 : i32
      %eq3A_464 = vector.broadcast %eq3A_463 : i32 to vector<16xi32>
      %eq3A_465 = arith.cmpi eq, %get3A_462, %eq3A_464 : vector<16xi32>
      %eq3A_466 = arith.constant 2 : i32
      %eq3A_467 = vector.broadcast %eq3A_466 : i32 to vector<16xi32>
      %eq3A_468 = arith.cmpi eq, %get3A_462, %eq3A_467 : vector<16xi32>
      %or3A_469 = arith.ori %eq3A_465, %eq3A_468 : vector<16xi1>
      %add3A_470 = arith.addi %mul3A_32, %add3A_459 : i32
      %add3A_471 = vector.broadcast %add3A_470 : i32 to vector<16xi32>
      %add3A_472 = arith.addi %add3A_471, %iota3A : vector<16xi32>
      %sub3A_473 = arith.constant 1 : i32
      %sub3A_474 = vector.broadcast %sub3A_473 : i32 to vector<16xi32>
      %sub3A_475 = arith.subi %add3A_472, %sub3A_474 : vector<16xi32>
      %and3A_476 = arith.constant 7 : i32
      %and3A_477 = vector.broadcast %and3A_476 : i32 to vector<16xi32>
      %and3A_478 = arith.andi %sub3A_475, %and3A_477 : vector<16xi32>
      %add3A_479 = arith.constant 1 : i32
      %add3A_480 = vector.broadcast %add3A_479 : i32 to vector<16xi32>
      %add3A_481 = arith.addi %and3A_478, %add3A_480 : vector<16xi32>
      %eq3A_482 = arith.constant 0 : i32
      %eq3A_483 = vector.broadcast %eq3A_482 : i32 to vector<16xi32>
      %eq3A_484 = arith.cmpi eq, %add3A_472, %eq3A_483 : vector<16xi32>
      %or3A_485 = arith.ori %or3A_469, %eq3A_484 : vector<16xi1>
      %jit3A_486 = arith.constant 0 : i32
      %broadcast_in_dim3A_487 = vector.broadcast %jit3A_486 : i32 to vector<16xi32>
      %select_n3A_488 = arith.select %or3A_485, %broadcast_in_dim3A_487, %add3A_481 : vector<16xi1>, vector<16xi32>
      %lt3A_489 = arith.constant 0 : i32
      %lt3A_490 = vector.broadcast %lt3A_489 : i32 to vector<16xi32>
      %lt3A_491 = arith.cmpi slt, %add3A_38, %lt3A_490 : vector<16xi32>
      %add3A_492 = arith.constant 16 : i32
      %add3A_493 = vector.broadcast %add3A_492 : i32 to vector<16xi32>
      %add3A_494 = arith.addi %add3A_38, %add3A_493 : vector<16xi32>
      %select_n3A_495 = arith.select %lt3A_491, %add3A_494, %add3A_38 : vector<16xi1>, vector<16xi32>
      %broadcast_in_dim3A_496 = vector.shape_cast %select_n3A_495 : vector<16xi32> to vector<16x1xi32>
      %gather3A_497 = vector.shape_cast %broadcast_in_dim3A_496 : vector<16x1xi32> to vector<16xi32>
      %gather3A_498 = tpu.dynamic_gather %get3A_462[%gather3A_497] in [0] : vector<16xi32>, vector<16xi32> -> vector<16xi32>
      %ge3A_499 = arith.constant 10 : i32
      %ge3A_500 = vector.broadcast %ge3A_499 : i32 to vector<16xi32>
      %ge3A_501 = arith.cmpi sge, %gather3A_498, %ge3A_500 : vector<16xi32>
      %le3A_502 = arith.constant 13 : i32
      %le3A_503 = vector.broadcast %le3A_502 : i32 to vector<16xi32>
      %le3A_504 = arith.cmpi sle, %gather3A_498, %le3A_503 : vector<16xi32>
      %and3A_505 = arith.andi %ge3A_501, %le3A_504 : vector<16xi1>
      %sub3A_506 = arith.constant 9 : i32
      %sub3A_507 = vector.broadcast %sub3A_506 : i32 to vector<16xi32>
      %sub3A_508 = arith.subi %gather3A_498, %sub3A_507 : vector<16xi32>
      %select_n3A_509 = arith.select %and3A_505, %sub3A_508, %gather3A_498 : vector<16xi1>, vector<16xi32>
      %or3A_510 = arith.ori %or3A_469, %eq3A_44 : vector<16xi1>
      %jit3A_511 = arith.constant 0 : i32
      %broadcast_in_dim3A_512 = vector.broadcast %jit3A_511 : i32 to vector<16xi32>
      %select_n3A_513 = arith.select %or3A_510, %broadcast_in_dim3A_512, %select_n3A_509 : vector<16xi1>, vector<16xi32>
      %swap3A_514 = arith.index_cast %add3A_459 : i32 to index
      %swap3A_515 = tpu.vector_load %arg6[%swap3A_514] {strides = array<i32>} : memref<1024xi32, #tpu.memory_space<vmem>>, vector<16xi32>,
      %swap3A_516 = vector.shape_cast %swap3A_515 : vector<16xi32> to vector<16xi32>
      %swap3A_517 = vector.shape_cast %select_n3A_488 : vector<16xi32> to vector<16xi32>
      tpu.vector_store %arg6[%swap3A_514], %swap3A_517 {strides = array<i32>} : memref<1024xi32, #tpu.memory_space<vmem>>, vector<16xi32>,
      %swap3A_518 = arith.index_cast %add3A_459 : i32 to index
      %swap3A_519 = tpu.vector_load %arg7[%swap3A_518] {strides = array<i32>} : memref<1024xi32, #tpu.memory_space<vmem>>, vector<16xi32>,
      %swap3A_520 = vector.shape_cast %swap3A_519 : vector<16xi32> to vector<16xi32>
      %swap3A_521 = vector.shape_cast %select_n3A_513 : vector<16xi32> to vector<16xi32>
      tpu.vector_store %arg7[%swap3A_518], %swap3A_521 {strides = array<i32>} : memref<1024xi32, #tpu.memory_space<vmem>>, vector<16xi32>,
      %mul3A_522 = arith.constant 128 : i32
      %mul3A_523 = arith.muli %scan3A_65, %mul3A_522 : i32
      %add3A_524 = arith.constant 112 : i32
      %add3A_525 = arith.addi %mul3A_523, %add3A_524 : i32
      %get3A_526 = arith.index_cast %add3A_525 : i32 to index
      %get3A_527 = tpu.vector_load %arg5[%get3A_526] {strides = array<i32>} : memref<1024xi32, #tpu.memory_space<vmem>>, vector<16xi32>,
      %get3A_528 = vector.shape_cast %get3A_527 : vector<16xi32> to vector<16xi32>
      %eq3A_529 = arith.constant 0 : i32
      %eq3A_530 = vector.broadcast %eq3A_529 : i32 to vector<16xi32>
      %eq3A_531 = arith.cmpi eq, %get3A_528, %eq3A_530 : vector<16xi32>
      %eq3A_532 = arith.constant 2 : i32
      %eq3A_533 = vector.broadcast %eq3A_532 : i32 to vector<16xi32>
      %eq3A_534 = arith.cmpi eq, %get3A_528, %eq3A_533 : vector<16xi32>
      %or3A_535 = arith.ori %eq3A_531, %eq3A_534 : vector<16xi1>
      %add3A_536 = arith.addi %mul3A_32, %add3A_525 : i32
      %add3A_537 = vector.broadcast %add3A_536 : i32 to vector<16xi32>
      %add3A_538 = arith.addi %add3A_537, %iota3A : vector<16xi32>
      %sub3A_539 = arith.constant 1 : i32
      %sub3A_540 = vector.broadcast %sub3A_539 : i32 to vector<16xi32>
      %sub3A_541 = arith.subi %add3A_538, %sub3A_540 : vector<16xi32>
      %and3A_542 = arith.constant 7 : i32
      %and3A_543 = vector.broadcast %and3A_542 : i32 to vector<16xi32>
      %and3A_544 = arith.andi %sub3A_541, %and3A_543 : vector<16xi32>
      %add3A_545 = arith.constant 1 : i32
      %add3A_546 = vector.broadcast %add3A_545 : i32 to vector<16xi32>
      %add3A_547 = arith.addi %and3A_544, %add3A_546 : vector<16xi32>
      %eq3A_548 = arith.constant 0 : i32
      %eq3A_549 = vector.broadcast %eq3A_548 : i32 to vector<16xi32>
      %eq3A_550 = arith.cmpi eq, %add3A_538, %eq3A_549 : vector<16xi32>
      %or3A_551 = arith.ori %or3A_535, %eq3A_550 : vector<16xi1>
      %jit3A_552 = arith.constant 0 : i32
      %broadcast_in_dim3A_553 = vector.broadcast %jit3A_552 : i32 to vector<16xi32>
      %select_n3A_554 = arith.select %or3A_551, %broadcast_in_dim3A_553, %add3A_547 : vector<16xi1>, vector<16xi32>
      %lt3A_555 = arith.constant 0 : i32
      %lt3A_556 = vector.broadcast %lt3A_555 : i32 to vector<16xi32>
      %lt3A_557 = arith.cmpi slt, %add3A_38, %lt3A_556 : vector<16xi32>
      %add3A_558 = arith.constant 16 : i32
      %add3A_559 = vector.broadcast %add3A_558 : i32 to vector<16xi32>
      %add3A_560 = arith.addi %add3A_38, %add3A_559 : vector<16xi32>
      %select_n3A_561 = arith.select %lt3A_557, %add3A_560, %add3A_38 : vector<16xi1>, vector<16xi32>
      %broadcast_in_dim3A_562 = vector.shape_cast %select_n3A_561 : vector<16xi32> to vector<16x1xi32>
      %gather3A_563 = vector.shape_cast %broadcast_in_dim3A_562 : vector<16x1xi32> to vector<16xi32>
      %gather3A_564 = tpu.dynamic_gather %get3A_528[%gather3A_563] in [0] : vector<16xi32>, vector<16xi32> -> vector<16xi32>
      %ge3A_565 = arith.constant 10 : i32
      %ge3A_566 = vector.broadcast %ge3A_565 : i32 to vector<16xi32>
      %ge3A_567 = arith.cmpi sge, %gather3A_564, %ge3A_566 : vector<16xi32>
      %le3A_568 = arith.constant 13 : i32
      %le3A_569 = vector.broadcast %le3A_568 : i32 to vector<16xi32>
      %le3A_570 = arith.cmpi sle, %gather3A_564, %le3A_569 : vector<16xi32>
      %and3A_571 = arith.andi %ge3A_567, %le3A_570 : vector<16xi1>
      %sub3A_572 = arith.constant 9 : i32
      %sub3A_573 = vector.broadcast %sub3A_572 : i32 to vector<16xi32>
      %sub3A_574 = arith.subi %gather3A_564, %sub3A_573 : vector<16xi32>
      %select_n3A_575 = arith.select %and3A_571, %sub3A_574, %gather3A_564 : vector<16xi1>, vector<16xi32>
      %or3A_576 = arith.ori %or3A_535, %eq3A_44 : vector<16xi1>
      %jit3A_577 = arith.constant 0 : i32
      %broadcast_in_dim3A_578 = vector.broadcast %jit3A_577 : i32 to vector<16xi32>
      %select_n3A_579 = arith.select %or3A_576, %broadcast_in_dim3A_578, %select_n3A_575 : vector<16xi1>, vector<16xi32>
      %swap3A_580 = arith.index_cast %add3A_525 : i32 to index
      %swap3A_581 = tpu.vector_load %arg6[%swap3A_580] {strides = array<i32>} : memref<1024xi32, #tpu.memory_space<vmem>>, vector<16xi32>,
      %swap3A_582 = vector.shape_cast %swap3A_581 : vector<16xi32> to vector<16xi32>
      %swap3A_583 = vector.shape_cast %select_n3A_554 : vector<16xi32> to vector<16xi32>
      tpu.vector_store %arg6[%swap3A_580], %swap3A_583 {strides = array<i32>} : memref<1024xi32, #tpu.memory_space<vmem>>, vector<16xi32>,
      %swap3A_584 = arith.index_cast %add3A_525 : i32 to index
      %swap3A_585 = tpu.vector_load %arg7[%swap3A_584] {strides = array<i32>} : memref<1024xi32, #tpu.memory_space<vmem>>, vector<16xi32>,
      %swap3A_586 = vector.shape_cast %swap3A_585 : vector<16xi32> to vector<16xi32>
      %swap3A_587 = vector.shape_cast %select_n3A_579 : vector<16xi32> to vector<16xi32>
      tpu.vector_store %arg7[%swap3A_584], %swap3A_587 {strides = array<i32>} : memref<1024xi32, #tpu.memory_space<vmem>>, vector<16xi32>,
      %scan3A_588 = arith.constant 0 : i32
      scf.yield %scan3A_588 : i32
    }
    %scan3A_50 = arith.constant 8 : i32
    %dma_start3A = tpu.memref_slice %arg3[%select_n3A, %mul3A_32] : memref<4x4096xi32, #tpu.memory_space<hbm>> -> memref<1x1024xi32, #tpu.memory_space<hbm>>
    %dma_start3A_51 = tpu.memref_squeeze %dma_start3A : memref<1x1024xi32, #tpu.memory_space<hbm>> -> memref<1024xi32, #tpu.memory_space<hbm>>
    %dma_start3A_52 = tpu.memref_slice %arg3[%select_n3A, %mul3A_32] : memref<4x4096xi32, #tpu.memory_space<hbm>> -> memref<1x1024xi32, #tpu.memory_space<hbm>>
    %dma_start3A_53 = tpu.memref_squeeze %dma_start3A_52 : memref<1x1024xi32, #tpu.memory_space<hbm>> -> memref<1024xi32, #tpu.memory_space<hbm>>
    tpu.enqueue_dma source(%arg6 : memref<1024xi32, #tpu.memory_space<vmem>>) target(%dma_start3A_53 : memref<1024xi32, #tpu.memory_space<hbm>>) target_semaphore(%arg8 : memref<!tpu.dma_semaphore, #tpu.memory_space<semaphore_mem>>)
    %dma_start3A_54 = tpu.memref_slice %arg4[%select_n3A, %mul3A_32] : memref<4x4096xi32, #tpu.memory_space<hbm>> -> memref<1x1024xi32, #tpu.memory_space<hbm>>
    %dma_start3A_55 = tpu.memref_squeeze %dma_start3A_54 : memref<1x1024xi32, #tpu.memory_space<hbm>> -> memref<1024xi32, #tpu.memory_space<hbm>>
    %dma_start3A_56 = tpu.memref_slice %arg4[%select_n3A, %mul3A_32] : memref<4x4096xi32, #tpu.memory_space<hbm>> -> memref<1x1024xi32, #tpu.memory_space<hbm>>
    %dma_start3A_57 = tpu.memref_squeeze %dma_start3A_56 : memref<1x1024xi32, #tpu.memory_space<hbm>> -> memref<1024xi32, #tpu.memory_space<hbm>>
    tpu.enqueue_dma source(%arg7 : memref<1024xi32, #tpu.memory_space<vmem>>) target(%dma_start3A_57 : memref<1024xi32, #tpu.memory_space<hbm>>) target_semaphore(%arg8 : memref<!tpu.dma_semaphore, #tpu.memory_space<semaphore_mem>>)
    %dma_wait3A = tpu.memref_slice %arg3[%select_n3A, %mul3A_32] : memref<4x4096xi32, #tpu.memory_space<hbm>> -> memref<1x1024xi32, #tpu.memory_space<hbm>>
    %dma_wait3A_58 = tpu.memref_squeeze %dma_wait3A : memref<1x1024xi32, #tpu.memory_space<hbm>> -> memref<1024xi32, #tpu.memory_space<hbm>>
    %dma_wait3A_59 = tpu.memref_slice %arg3[%select_n3A, %mul3A_32] : memref<4x4096xi32, #tpu.memory_space<hbm>> -> memref<1x1024xi32, #tpu.memory_space<hbm>>
    %dma_wait3A_60 = tpu.memref_squeeze %dma_wait3A_59 : memref<1x1024xi32, #tpu.memory_space<hbm>> -> memref<1024xi32, #tpu.memory_space<hbm>>
    tpu.wait_dma2 semaphore(%arg8 : memref<!tpu.dma_semaphore, #tpu.memory_space<semaphore_mem>>) src(%arg6 : memref<1024xi32, #tpu.memory_space<vmem>>) dst(%dma_wait3A_60 : memref<1024xi32, #tpu.memory_space<hbm>>)
    %dma_wait3A_61 = tpu.memref_slice %arg4[%select_n3A, %mul3A_32] : memref<4x4096xi32, #tpu.memory_space<hbm>> -> memref<1x1024xi32, #tpu.memory_space<hbm>>
    %dma_wait3A_62 = tpu.memref_squeeze %dma_wait3A_61 : memref<1x1024xi32, #tpu.memory_space<hbm>> -> memref<1024xi32, #tpu.memory_space<hbm>>
    %dma_wait3A_63 = tpu.memref_slice %arg4[%select_n3A, %mul3A_32] : memref<4x4096xi32, #tpu.memory_space<hbm>> -> memref<1x1024xi32, #tpu.memory_space<hbm>>
    %dma_wait3A_64 = tpu.memref_squeeze %dma_wait3A_63 : memref<1x1024xi32, #tpu.memory_space<hbm>> -> memref<1024xi32, #tpu.memory_space<hbm>>
    tpu.wait_dma2 semaphore(%arg8 : memref<!tpu.dma_semaphore, #tpu.memory_space<semaphore_mem>>) src(%arg7 : memref<1024xi32, #tpu.memory_space<vmem>>) dst(%dma_wait3A_64 : memref<1024xi32, #tpu.memory_space<hbm>>)
    return
  }
}

</mosaic_0001>

<sc_bundles>
// kernel: kernel.3.cloned.1.call-start
scs
__scs_entry_jumppad:
0x0: {  	(pc) =	sbr.rel $0x88, $3  }
0x1: {  	(tag) =	ssettag $0x0;
	lr =	simm.s32 $0x1  }
0x2: {  	[smem:$0x3FA0] =	sst lr;
	_ =	strace $0xD0000000  }
0x3: {  	_ = 	snop  }
0x4: {  	_ = 	snop  }
0x5: {  	_ = 	snop  }
0x6: {  	_ = 	snop  }
0x7: {  	_ = 	snop  }
__scs_overlays_trampoline_lowered:
0x8: {  	[smem:$0x3FAF] =	sst s0  }
0x9: {  	[smem:$0x3FB0] =	sst s1  }
0xa: {  	[smem:$0x3FB1] =	sst s2  }
0xb: {  	[smem:$0x3FB2] =	sst s3  }
0xc: {  	[smem:$0x3FB3] =	sst s4  }
0xd: {  	[smem:$0x3FB4] =	sst s5  }
0xe: {  	[smem:$0x3FB5] =	sst s6  }
0xf: {  	[smem:$0x3FB6] =	sst s7  }
0x10: {  	[smem:$0x3FB7] =	sst s8  }
0x11: {  	[smem:$0x3FB8] =	sst s9;
	s0 =	simm.s32 @!p0 $0x0  }
0x12: {  	s1 =	sld [smem:$0x3F9E];
	s0 =	simm.s32 @p0 $0x1  }
0x13: {  	[smem:$0x3FB9] =	sst s0;
	s0 =	simm.s32 @!p1 $0x0  }
0x14: {  	s2 =	sld [smem:$0x3F9D];
	s0 =	simm.s32 @p1 $0x1  }
0x15: {  	[smem:$0x3FBA] =	sst s0;
	s0 =	simm.s32 @!p2 $0x0  }
0x16: {  	s3 =	sld [smem:$0x3FDB];
	s0 =	simm.s32 @p2 $0x1  }
0x17: {  	s4 =	simm.s32 $0x1BF5;
	[smem:$0x3FBC] =	sst s0  }
0x18: {  	s0 =	sld [smem:$0x3F9F];
	_ =	swait.ge [sflag:s4], $0x0  }
0x19: {  	s7 =	sld [smem:$0x3FA0]  }
0x1a: {  	s8 =	sadd.s32 $0xFFFFE003, lr  }
0x1b: {  	s9 =	sadd.s32 $0xFFFFFEF7, lr;
	s5 =	simm.s32 $0xFFFFFFFF;
	p2 =	slt.u32 s8, $0xFFFFF086  }
0x1c: {  	p1 =	slt.u32 s9, $0xF7A;
	s5 =	simm.s32 @!p2 $0x0  }
0x1d: {  	s5 =	simm.s32 @p1 $0x1;
	p0 =	seq.s32 s7, s2  }
0x1e: {  	s7 =	smul.u32 @!p0 $0xF7A, s2;
	p2 =	seq.s32 @!p0 s5, $0x0  }
0x1f: {  	s9 =	smul.u32 $0xF7A, s1;
	s8 =	simm.s32 @!p0 $0x1BF5;
	p2 =	por !p2, p0  }
0x20: {  	[sflag:s8] =	ssyncset.s32 @!p0 $0xFFFFF086;
	s6 =	sadd.s32 @!p0 s3, s7;
	s7 =	simm.s32 @!p0 $0x108  }
0x21: {  	s3 =	sadd.s32 s3, s9;
	s6 =	sadd.s32 @!p0 $0x88, s6;
	s7 =	simm.s32 @p2 $0x1082  }
0x22: {  	[simem:s7], [sflag:s8] =	dma.local @!p0 [hbm:s6], $0xF7A  }
0x23: {  	s9 =	sor.u32 $0xD0000000, s2;
	s6 =	simm.s32 $0x108;
	_ =	swait.ge @!p0 [sflag:s8], $0x0  }
0x24: {  	s3 =	sadd.s32 $0x88, s3;
	s6 =	simm.s32 @!p1 $0x1082;
	[sflag:s4] =	ssyncset.s32 $0xFFFFF086  }
0x25: {  	[simem:s6], [sflag:s4] =	dma.local [hbm:s3], $0xF7A  }
0x26: {  	[smem:$0x3FA0] =	sst s1;
	(tag) =	ssettag s2;
	_ =	strace s9  }
0x27: {  	s1 =	sld [smem:$0x3FB0]  }
0x28: {  	s2 =	sld [smem:$0x3FB1]  }
0x29: {  	s4 =	sld [smem:$0x3FB3]  }
0x2a: {  	p0 =	seq.s32 s5, $0x0;
	s5 =	sld [smem:$0x3FB4]  }
0x2b: {  	s6 =	sld [smem:$0x3FB5]  }
0x2c: {  	s7 =	sld [smem:$0x3FB6]  }
0x2d: {  	s3 =	simm.s32 $0x108;
	s8 =	sld [smem:$0x3FB7]  }
0x2e: {  	s3 =	simm.s32 @!p0 $0x1082;
	s9 =	sld [smem:$0x3FB8]  }
0x2f: {  	lr =	sadd.s32 s0, s3;
	s0 =	sld [smem:$0x3FAF]  }
0x30: {  	s3 =	sld [smem:$0x3FB2]  }
0x31: {  	[smem:$0x3FBB] =	sst s10  }
0x32: {  	s10 =	sld [smem:$0x3FB9];
	_ =	sdelay $0x3  }
0x33: {  	p0 =	seq.s32 s10, $0x1;
	s10 =	sld [smem:$0x3FBB];
	_ =	sdelay $0x3  }
0x34: {  	[smem:$0x3FBB] =	sst s10  }
0x35: {  	s10 =	sld [smem:$0x3FBA];
	_ =	sdelay $0x3  }
0x36: {  	p1 =	seq.s32 s10, $0x1;
	s10 =	sld [smem:$0x3FBB];
	_ =	sdelay $0x3  }
0x37: {  	[smem:$0x3FBB] =	sst s10  }
0x38: {  	s10 =	sld [smem:$0x3FBC]  }
0x39: {  	_ = 	snop;
	(pc) =	sbr.ind lr, $3  }
0x3a: {  	_ = 	snop  }
0x3b: {  	_ = 	snop  }
0x3c: {  	p2 =	seq.s32 s10, $0x1;
	s10 =	sld [smem:$0x3FBB]  }
0x3d: {  	_ =	shalt  }
0x3e: {  	_ =	shalt  }
0x3f: {  	_ =	shalt  }
0x40: {  	_ =	shalt  }
0x41: {  	_ =	shalt  }
0x42: {  	_ =	shalt  }
0x43: {  	_ =	shalt  }
0x44: {  	_ =	shalt  }
0x45: {  	_ =	shalt  }
0x46: {  	_ =	shalt  }
0x47: {  	_ =	shalt  }
0x48: {  	_ =	shalt  }
0x49: {  	_ =	shalt  }
0x4a: {  	_ =	shalt  }
0x4b: {  	_ =	shalt  }
0x4c: {  	_ =	shalt  }
0x4d: {  	_ =	shalt  }
0x4e: {  	_ =	shalt  }
0x4f: {  	_ =	shalt  }
0x50: {  	_ =	shalt  }
0x51: {  	_ =	shalt  }
0x52: {  	_ =	shalt  }
0x53: {  	_ =	shalt  }
0x54: {  	_ =	shalt  }
0x55: {  	_ =	shalt  }
0x56: {  	_ =	shalt  }
0x57: {  	_ =	shalt  }
0x58: {  	_ =	shalt  }
0x59: {  	_ =	shalt  }
0x5a: {  	_ =	shalt  }
0x5b: {  	_ =	shalt  }
0x5c: {  	_ =	shalt  }
0x5d: {  	_ =	shalt  }
0x5e: {  	_ =	shalt  }
0x5f: {  	_ =	shalt  }
0x60: {  	_ =	shalt  }
0x61: {  	_ =	shalt  }
0x62: {  	_ =	shalt  }
0x63: {  	_ =	shalt  }
0x64: {  	_ =	shalt  }
0x65: {  	_ =	shalt  }
0x66: {  	_ =	shalt  }
0x67: {  	_ =	shalt  }
0x68: {  	_ =	shalt  }
0x69: {  	_ =	shalt  }
0x6a: {  	_ =	shalt  }
0x6b: {  	_ =	shalt  }
0x6c: {  	_ =	shalt  }
0x6d: {  	_ =	shalt  }
0x6e: {  	_ =	shalt  }
0x6f: {  	_ =	shalt  }
0x70: {  	_ =	shalt  }
0x71: {  	_ =	shalt  }
0x72: {  	_ =	shalt  }
0x73: {  	_ =	shalt  }
0x74: {  	_ =	shalt  }
0x75: {  	_ =	shalt  }
0x76: {  	_ =	shalt  }
0x77: {  	_ =	shalt  }
0x78: {  	_ =	shalt  }
0x79: {  	_ =	shalt  }
0x7a: {  	_ =	shalt  }
0x7b: {  	_ =	shalt  }
0x7c: {  	_ =	shalt  }
0x7d: {  	_ =	shalt  }
0x7e: {  	_ =	shalt  }
0x7f: {  	_ =	shalt  }
0x80: {  	_ =	shalt  }
0x81: {  	_ =	shalt  }
0x82: {  	_ =	shalt  }
0x83: {  	_ =	shalt  }
0x84: {  	_ =	shalt  }
0x85: {  	_ =	shalt  }
0x86: {  	_ =	shalt  }
0x87: {  	_ =	shalt  }
.Lfunc_end0:
.L_simem_size_0:
called_computation_lowered:
.L_overlay_start_0:
0x88: {  	s0 =	sld [smem:$0x3FD9]  }
0x89: {  	s1 =	sld [smem:$0x3FFE];
	_ =	sdelay $0x3  }
0x8a: {  	s0 =	sadd.s32 s1, s0  }
0x8b: {  	[smem:$0x3FC7] =	sst s0  }
0x8c: {  	_ = 	snop  }
0x8d: {  	s0 =	sld [smem:$0x3FD0];
	_ =	sdelay $0x2  }
0x8e: {  	s2 =	simm.s32 $0xA;
	s3 =	simm.s32 $0x10;
	s14 =	sld [smem:$0x3FC9]  }
0x8f: {  	[smem:s3], [sflag:s2] =	dma.local [hbm:s0], $0x1  }
0x90: {  	_ =	swait.eq [sflag:s2], $0x1  }
0x91: {  	[sflag:s2] =	ssyncset.done $0x0  }
0x92: {  	s15 =	sld [smem:$0x10];
	[sflag:s2] =	ssyncadd.s32 $0xFFFFFFFF  }
0x93: {  	s16 =	sld [smem:$0x11];
	(tm) =	ssettm $0x1  }
0x94: {  	s17 =	sld [smem:$0x3FFB];
	_ =	sdelay $0x3  }
0x95: {  	_ =	strace s17  }
0x96: {  	s3 =	sld [smem:$0x3FFC];
	_ =	sdelay $0x3  }
0x97: {  	_ =	strace s3  }
0x98: {  	s3 =	sld [smem:$0x3FFD];
	_ =	sdelay $0x3  }
0x99: {  	_ =	strace s3  }
0x9a: {  	_ =	strace $0x8FFFFFFF  }
0x9b: {  	s18 =	sld [smem:$0x3FDB];
	_ =	sdelay $0x1  }
0x9c: {  	s4 =	simm.s32 $_scs_section_size  }
0x9d: {  	s5 =	simm.s32 $_size__tile_overlayer_lowered;
	s6 =	simm.s32 $_tile_overlayer_lowered  }
0x9e: {  	s21 =	simm.s32 $0x1BFF;
	s20 =	sshll.u32 s6, $0x1;
	s3 =	sadd.s32 s4, s18  }
0x9f: {  	s7 =	simm.s32 $0x0;
	s19 =	sshll.u32 s5, $0x1;
	s5 =	sadd.s32 s20, s3  }
0xa0: {  	[timem:s7], [sflag:s21] =	dma.local [hbm:s5], s19  }
0xa1: {  	_ =	swait.ge [sflag:s21], s19  }
0xa2: {  	s4 =	ssub.s32 $0x0, s19;
	[sflag:s21] =	ssyncset.done $0x0  }
0xa3: {  	[sflag:s21] =	ssyncadd.s32 s4;
	_ =	sdelay $0x1  }
0xa4: {  	s22 =	simm.s32 $0x1B8B  }
0xa5: {  	_ =	swait.ge [sflag:s22], $0x1  }
0xa6: {  	[sflag:s22] =	ssyncset.done $0x0  }
0xa7: {  	s23 =	simm.s32 $0x1B8E;
	[sflag:s22] =	ssyncadd.s32 $0xFFFFFFFF  }
0xa8: {  	s24 =	simm.s32 $execute0_lowered;
	[smem:$0x3FD2] =	sst s23  }
0xa9: {  	s4 =	sshll.u32 s24, $0x1;
	_ =	strace $0x80000046;
	[dreg:$0x1] =	wrdreg $0xFFFFFFFF  }
0xaa: {  	s25 =	simm.s32 $_size_execute0_lowered;
	s3 =	sadd.s32 s3, s4;
	[dreg:$0x0] =	wrdreg $0x0  }
0xab: {  	s4 =	sshll.u32 s25, $0x1;
	[dreg:$0x2] =	wrdreg s3  }
0xac: {  	[dreg:$0x3] =	wrdreg s4  }
0xad: {  	[dreg:$0x4] =	wrdreg $0xC0  }
0xae: {  	_ =	task [dreg:s7], $0x5FFFF  }
0xaf: {  	[dreg:$0x1] =	wrdreg $0xFFFFFFFF  }
0xb0: {  	[dreg:$0x0] =	wrdreg $0x60  }
0xb1: {  	[dreg:$0x2] =	wrdreg s14  }
0xb2: {  	[dreg:$0x3] =	wrdreg s15  }
0xb3: {  	[dreg:$0x4] =	wrdreg s16  }
0xb4: {  	[dreg:$0x5] =	wrdreg $0x9  }
0xb5: {  	_ =	task.clear_ibuf [dreg:s7], $0x6FFFF;
	_ =	strace $0x90000046  }
0xb6: {  	s26 =	simm.s32 $0x9;
	_ =	strace $0x80000048  }
0xb7: {  	_ =	swait.ge [sflag:s26], $0x1  }
0xb8: {  	[sflag:s26] =	ssyncadd.s32 $0xFFFFFFFF  }
0xb9: {  	_ =	strace $0x90000048  }
0xba: {  	_ =	sfence  }
0xbb: {  	s28 =	sld [smem:$0x0];
	_ =	sdelay $0x1  }
0xbc: {  	s29 =	srdreg.scid  }
0xbd: {  	s30 =	sshll.u32 s29, $0xD;
	s31 =	sshrl.u32 s29, $0x2  }
0xbe: {  	s1 =	sand.u32 $0x1, s29;
	s2 =	sand.u32 $0x4000, s30;
	s0 =	sadd.s32 s31, s28  }
0xbf: {  	s1 =	sor.u32 s2, s1;
	s0 =	sshll.u32 s0, $0x11  }
0xc0: {  	s0 =	sor.u32 s0, s1  }
0xc1: {  	s0 =	sadd.s32 $0x8F2B, s0  }
0xc2: {  	[sflag:s0] =	ssyncadd.remote.s32 $0x1  }
0xc3: {  	_ =	sfence.sel $0xFFFF  }
0xc4: {  	[dreg:$0x0] =	wrdreg $0xFFFFFFFF;
	(pc) =	sbr.abs _section_cstart, $3  }
0xc5: {  	[dreg:$0x1] =	wrdreg $0xFFFFFFFF  }
0xc6: {  	_ =	task.clear_ibuf [dreg:s7], $0x2FFFF;
	_ =	strace $0x9FFFFFFF  }
0xc7: {  	(tm) =	ssettm $0x7FFFFFFF  }
tec
execute0_lowered:
.L_overlay_start_1:
0x0: {  	(tag) =	ssettag $0x1  }
0x1: {  	s5 =	rddreg [dreg:$0x0]  }
0x2: {  	s3 =	rddreg [dreg:$0x1]  }
0x3: {  	s2 =	rddreg [dreg:$0x2]  }
0x4: {  	s0 =	rddreg [dreg:$0x3];
	s1 =	stileid.u32  }
0x5: {  	s6 =	simm.s32 $0x0;
	s7 =	sand.u32 $0x3, s1;
	s4 =	sshll.u32 s1, $0x2  }
0x6: {  	s30 =	simm.s32 $0x80;
	s8 =	sshll.u32 s7, $0x9;
	s4 =	sand.u32 $0x30, s4  }
0x7: {  	s9 =	simm.s32 $0x200;
	[smem:$0x7FF] =	sst s6;
	s4 =	sor.u32 s4, s8  }
0x8: {  	s31 =	simm.s32 $0x2;
	_ =	strace $0x80000047;
	s5 =	sadd.s32 s5, s4  }
0x9: {  	[tilespmem:s6], [sflag:$0x2] =	stream.strided.gather [hbm4b:s5+s30], $0x400, s9, s30, $0x38;
	[tilespmem:$0xC00] =	vst v63  }
0xa: {  	_ =	swait.ge [sflag:s31], $0x400  }
0xb: {  	[sflag:s31] =	ssyncset.done $0x0  }
0xc: {  	s5 =	simm.s32 $0x0;
	[sflag:s31] =	ssyncadd.s32 $0xFFFFFC00  }
0xd: {  	v3 =	vld [tilespmem:s5+$0x70]  }
0xe: {  	v4 =	vld [tilespmem:s5+$0x0]  }
0xf: {  	v5 =	vld [tilespmem:s5+$0x10]  }
0x10: {  	v1 =	vlaneseq.u32;
	s6 =	sshll.u32 s7, $0xA;
	v6 =	vld [tilespmem:s5+$0x20]  }
0x11: {  	v0 =	vimm.s32 $0x76543218;
	v2 =	vshrl.u32 v1, $0x3;
	v8 =	vmov s6;
	v9 =	vld [tilespmem:s5+$0x40]  }
0x12: {  	v0 =	vunpack.c.l.s4.s8 v0;
	v2 =	vmul.u32 $0x8, v2;
	vm7 =	veq.s32 v8, v1;
	v8 =	vld [tilespmem:s5+$0x50]  }
0x13: {  	vm0 =	vcmask $0x2724;
	vm1 =	vcmask $0x704;
	v13 =	vld [tilespmem:s5+$0x60]  }
0x14: {  	vm0 =	vmor vm1, vm0;
	v0 =	vunpack.c.0.s8.s32 v0;
	v2 =	vor.u32 $0x1, v2  }
0x15: {  	v10 =	vperm.xlane v3, v2;
	v11 =	vand.u32 $0xFFFFFFFD, v4;
	v4 =	vperm.xlane v4, v2  }
0x16: {  	v0 =	vand.u32 $0xF, v0;
	v12 =	vperm.xlane v5, v2;
	v59 =	vperm.xlane v6, v2  }
0x17: {  	v3 =	vand.u32 $0xFFFFFFFD, v3;
	v15 =	vperm.xlane v9, v2;
	v18 =	vperm.xlane v8, v2  }
0x18: {  	v21 =	vperm.xlane v13, v2;
	v5 =	vand.u32 $0xFFFFFFFD, v5;
	v24 =	vand.u32 $0xFFFFFFFD, v6  }
0x19: {  	v9 =	vand.u32 $0xFFFFFFFD, v9;
	v8 =	vand.u32 $0xFFFFFFFD, v8;
	v13 =	vand.u32 $0xFFFFFFFD, v13  }
0x1a: {  	vm1 =	veq.s32 v3, $0x0;
	vm15 =	veq.s32 v11, $0x0;
	vm8 =	veq.s32 v5, $0x0  }
0x1b: {  	vm6 =	veq.s32 v24, $0x0;
	vm5 =	veq.s32 v9, $0x0;
	vm3 =	veq.s32 v8, $0x0  }
0x1c: {  	v14 =	vadd.s32 $0xFFFFFFF6, v10;
	v3 =	vadd.s32 $0xFFFFFFF7, v10;
	v17 =	vadd.s32 $0xFFFFFFF6, v12  }
0x1d: {  	v7 =	vld [tilespmem:s5+$0x30];
	v19 =	vadd.s32 $0xFFFFFFF6, v59;
	v22 =	vadd.s32 $0xFFFFFFF6, v15;
	v23 =	vadd.s32 $0xFFFFFFF6, v18  }
0x1e: {  	v6 =	vadd.s32 $0xFFFFFFF7, v4;
	v60 =	vadd.s32 $0xFFFFFFF7, v12;
	v62 =	vadd.s32 $0xFFFFFFF7, v15  }
0x1f: {  	v11 =	vadd.s32 $0xFFFFFFF7, v18;
	v63 =	vadd.s32 $0xFFFFFFF7, v21;
	vm7 =	vmor vm7, vm15  }
0x20: {  	vm2 =	vlt.u32 v14, $0x4;
	vm9 =	vlt.u32 v17, $0x4;
	vm10 =	vlt.u32 v19, $0x4  }
0x21: {  	vm12 =	vlt.u32 v22, $0x4;
	vm13 =	vlt.u32 v23, $0x4;
	v3 =	vsel vm2, v3, v10  }
0x22: {  	vm2 =	vmor vm1, vm0;
	v10 =	vperm.xlane v7, v2;
	v7 =	vand.u32 $0xFFFFFFFD, v7  }
0x23: {  	v9 =	vsel vm9, v60, v12;
	v5 =	vsel vm13, v11, v18;
	vm13 =	vmor vm5, vm0  }
0x24: {  	v16 =	vsel vm2, $0x0, v3;
	v3 =	vadd.s32 $0xFFFFFFF6, v4;
	vm4 =	veq.s32 v7, $0x0  }
0x25: {  	v20 =	vadd.s32 $0xFFFFFFF6, v10;
	vm2 =	vlt.u32 v3, $0x4;
	v3 =	vadd.s32 $0xFFFFFFF6, v21  }
0x26: {  	v61 =	vadd.s32 $0xFFFFFFF7, v10;
	vm11 =	vlt.u32 v20, $0x4;
	vm14 =	vlt.u32 v3, $0x4  }
0x27: {  	v3 =	vadd.s32 $0xFFFFFFF7, v59;
	v6 =	vsel vm2, v6, v4;
	vm2 =	veq.s32 v13, $0x0  }
0x28: {  	v4 =	vsel vm12, v62, v15;
	vm12 =	vmor vm15, vm0;
	vm15 =	vmor vm8, vm0  }
0x29: {  	v8 =	vsel vm10, v3, v59;
	v7 =	vsel vm11, v61, v10;
	v10 =	vimm.s32 $0x0  }
0x2a: {  	[tilespmem:s5+$0x870] =	vst v16;
	v3 =	vsel vm14, v63, v21;
	vm11 =	vmor vm6, vm0;
	v10 =	vsel vm0, $0xFFFFFFFF, v10  }
0x2b: {  	s8 =	simm.s32 $0x400;
	s7 =	simm.s32 $0x80;
	vm10 =	vmor vm4, vm0;
	vm14 =	vmor vm3, vm0;
	vm9 =	vmor vm2, vm0;
	[tilespmem:$0x1FFF0] =	vst v10  }
.LBB2_1:
0x2c: {  	v10 =	vld [tilespmem:s7+$0x70]  }
0x2d: {  	v6 =	vsel vm12, $0x0, v6;
	v9 =	vsel vm15, $0x0, v9;
	v8 =	vsel vm11, $0x0, v8;
	v11 =	vld [tilespmem:s7+$0x0]  }
0x2e: {  	v4 =	vsel vm13, $0x0, v4;
	v5 =	vsel vm14, $0x0, v5;
	v12 =	vsel vm7, $0x0, v0;
	v50 =	vld [tilespmem:$0x1FFF0];
	[tilespmem:s5+$0x800] =	vst v6  }
0x2f: {  	v13 =	vsel vm8, $0x0, v0;
	v3 =	vsel vm9, $0x0, v3;
	s6 =	sadd.s32 $0x80, s6;
	v6 =	vsel vm10, $0x0, v7;
	v7 =	vld [tilespmem:s7+$0x10]  }
0x30: {  	v14 =	vsel vm6, $0x0, v0;
	v15 =	vsel vm5, $0x0, v0;
	v19 =	vmov s6;
	[tilespmem:s5+$0x810] =	vst v9  }
0x31: {  	v17 =	vsel vm2, $0x0, v0;
	v18 =	vsel vm1, $0x0, v0;
	vm7 =	veq.s32 v19, v1;
	v9 =	vld [tilespmem:s7+$0x20];
	[tilespmem:s5+$0x820] =	vst v8  }
0x32: {  	v8 =	vsel vm4, $0x0, v0;
	v16 =	vld [tilespmem:s7+$0x30];
	[tilespmem:s5+$0x830] =	vst v6;
	v6 =	vsel vm3, $0x0, v0;
	v21 =	vperm.xlane v10, v2  }
0x33: {  	v20 =	vld [tilespmem:s7+$0x40];
	[tilespmem:s5+$0x840] =	vst v4;
	v4 =	vand.u32 $0xFFFFFFFD, v11;
	v11 =	vperm.xlane v11, v2;
	v10 =	vand.u32 $0xFFFFFFFD, v10  }
0x34: {  	vm0 =	vnez.u8 v50;
	v49 =	vld [tilespmem:s7+$0x50];
	[tilespmem:s5+$0x850] =	vst v5;
	vm1 =	veq.s32 v10, $0x0;
	v5 =	vperm.xlane v7, v2  }
0x35: {  	v22 =	vld [tilespmem:s7+$0x60];
	v23 =	vadd.s32 $0xFFFFFFF6, v21;
	[tilespmem:s5+$0x860] =	vst v3;
	v3 =	vimm.s32 $0x0;
	v53 =	vadd.s32 $0xFFFFFFF6, v11  }
0x36: {  	v7 =	vand.u32 $0xFFFFFFFD, v7;
	v3 =	vsel vm1, $0xFFFFFFFF, v3;
	vm2 =	vlt.u32 v23, $0x4  }
0x37: {  	v10 =	vperm.xlane v9, v2;
	v9 =	vand.u32 $0xFFFFFFFD, v9;
	vm9 =	vlt.u32 v53, $0x4  }
0x38: {  	vm8 =	veq.s32 v7, $0x0;
	[tilespmem:$0x1FFE0] =	vst v3;
	v3 =	vadd.s32 $0xFFFFFFF7, v21;
	v51 =	vperm.xlane v16, v2  }
0x39: {  	v54 =	vadd.s32 $0xFFFFFFF6, v5;
	v56 =	vand.u32 $0xFFFFFFFD, v16;
	vm6 =	veq.s32 v9, $0x0  }
0x3a: {  	v3 =	vsel vm2, v3, v21;
	vm2 =	vmor vm1, vm0;
	v52 =	vperm.xlane v20, v2  }
0x3b: {  	[tilespmem:s5+$0x400] =	vst v12;
	vm10 =	vlt.u32 v54, $0x4;
	v59 =	vadd.s32 $0xFFFFFFF7, v10;
	vm1 =	veq.s32 v4, $0x0  }
0x3c: {  	[tilespmem:s5+$0x410] =	vst v13;
	vm4 =	veq.s32 v56, $0x0;
	v3 =	vsel vm2, $0x0, v3;
	v55 =	vperm.xlane v49, v2  }
0x3d: {  	[tilespmem:s5+$0x420] =	vst v14;
	v24 =	vadd.s32 $0xFFFFFFF6, v51;
	v19 =	vand.u32 $0xFFFFFFFD, v49;
	v60 =	vadd.s32 $0xFFFFFFF7, v51  }
0x3e: {  	vm7 =	vmor vm7, vm1;
	[tilespmem:s7+$0x870] =	vst v3;
	v3 =	vadd.s32 $0xFFFFFFF6, v10;
	v25 =	vperm.xlane v22, v2  }
0x3f: {  	v58 =	vand.u32 $0xFFFFFFFD, v22;
	vm12 =	vlt.u32 v24, $0x4;
	v61 =	vadd.s32 $0xFFFFFFF7, v52  }
0x40: {  	vm3 =	veq.s32 v19, $0x0;
	[tilespmem:s5+$0x430] =	vst v8;
	v8 =	vadd.s32 $0xFFFFFFF6, v52;
	v26 =	vadd.s32 $0xFFFFFFF6, v55  }
0x41: {  	[tilespmem:s5+$0x450] =	vst v6;
	v6 =	vand.u32 $0xFFFFFFFD, v20;
	vm11 =	vlt.u32 v3, $0x4;
	v3 =	vadd.s32 $0xFFFFFFF7, v11  }
0x42: {  	v62 =	vadd.s32 $0xFFFFFFF7, v55;
	vm2 =	veq.s32 v58, $0x0;
	v7 =	vsel vm12, v60, v51  }
0x43: {  	vm12 =	vmor vm1, vm0;
	v57 =	vadd.s32 $0xFFFFFFF6, v25;
	vm13 =	vlt.u32 v8, $0x4  }
0x44: {  	p0 =	sne.s32 s8, $0xE00;
	vm14 =	vlt.u32 v26, $0x4;
	vm5 =	veq.s32 v6, $0x0;
	v6 =	vsel vm9, v3, v11;
	v3 =	vld [tilespmem:$0x1FFE0]  }
.Ltmp0:
0x45: {  	v8 =	vadd.s32 $0xFFFFFFF7, v5;
	v63 =	vadd.s32 $0xFFFFFFF7, v25;
	vm9 =	vmor vm2, vm0;
	(pc) =	sbr.rel @p0 .LBB2_1-.Ltmp0, $4  }
0x46: {  	vm15 =	vlt.u32 v57, $0x4;
	v9 =	vsel vm10, v8, v5;
	v8 =	vsel vm11, v59, v10  }
0x47: {  	[tilespmem:s5+$0x440] =	vst v15;
	v4 =	vsel vm13, v61, v52;
	v5 =	vsel vm14, v62, v55;
	vm11 =	vmor vm6, vm0  }
0x48: {  	[tilespmem:s5+$0x460] =	vst v17;
	vm10 =	vmor vm4, vm0;
	vm13 =	vmor vm5, vm0;
	vm14 =	vmor vm3, vm0  }
0x49: {  	[tilespmem:s5+$0x470] =	vst v18;
	s5 =	smov.u32 s7;
	s7 =	sshra.s32 s8, $0x2;
	s8 =	sadd.s32 $0x200, s8;
	vm1 =	vnez.u8 v3;
	v3 =	vsel vm15, v63, v25;
	vm15 =	vmor vm8, vm0  }
0x4a: {  	v10 =	vld [tilespmem:s7+$0x70]  }
0x4b: {  	v6 =	vsel vm12, $0x0, v6;
	v11 =	vld [tilespmem:s7+$0x0];
	v54 =	vsel vm15, $0x0, v9;
	v56 =	vsel vm11, $0x0, v8  }
0x4c: {  	v7 =	vsel vm10, $0x0, v7;
	v4 =	vsel vm13, $0x0, v4;
	v5 =	vsel vm14, $0x0, v5;
	v29 =	vld [tilespmem:$0x1FFF0];
	[tilespmem:s5+$0x800] =	vst v6  }
0x4d: {  	v58 =	vsel vm7, $0x0, v0;
	v13 =	vsel vm8, $0x0, v0;
	v3 =	vsel vm9, $0x0, v3;
	v55 =	vld [tilespmem:s7+$0x10]  }
0x4e: {  	v14 =	vsel vm6, $0x0, v0;
	v59 =	vsel vm4, $0x0, v0;
	v15 =	vsel vm5, $0x0, v0  }
0x4f: {  	v16 =	vsel vm3, $0x0, v0;
	v18 =	vsel vm2, $0x0, v0;
	v19 =	vsel vm1, $0x0, v0;
	s6 =	sadd.s32 $0x80, s6;
	[tilespmem:s5+$0x810] =	vst v54  }
0x50: {  	v60 =	vmov s6;
	v57 =	vld [tilespmem:s7+$0x20];
	[tilespmem:s5+$0x820] =	vst v56;
	v20 =	vperm.xlane v10, v2;
	v21 =	vand.u32 $0xFFFFFFFD, v11  }
0x51: {  	v12 =	vld [tilespmem:s7+$0x30];
	v11 =	vperm.xlane v11, v2;
	v10 =	vand.u32 $0xFFFFFFFD, v10;
	vm0 =	vnez.u8 v29  }
0x52: {  	[tilespmem:s5+$0x830] =	vst v7;
	vm1 =	veq.s32 v10, $0x0;
	vm5 =	veq.s32 v21, $0x0;
	v61 =	vperm.xlane v55, v2  }
0x53: {  	v17 =	vld [tilespmem:s7+$0x40];
	[tilespmem:s5+$0x840] =	vst v4;
	v23 =	vadd.s32 $0xFFFFFFF6, v20;
	v62 =	vadd.s32 $0xFFFFFFF7, v20;
	vm11 =	vmor vm1, vm0  }
0x54: {  	v22 =	vld [tilespmem:s7+$0x50];
	[tilespmem:s5+$0x850] =	vst v5;
	v26 =	vadd.s32 $0xFFFFFFF6, v11;
	v9 =	vand.u32 $0xFFFFFFFD, v55;
	v42 =	vadd.s32 $0xFFFFFFF7, v11  }
0x55: {  	v24 =	vld [tilespmem:s7+$0x60];
	[tilespmem:s5+$0x860] =	vst v3;
	vm10 =	vlt.u32 v23, $0x4;
	v63 =	vperm.xlane v57, v2;
	vm2 =	vlt.u32 v26, $0x4  }
0x56: {  	[tilespmem:s5+$0x400] =	vst v58;
	v8 =	vand.u32 $0xFFFFFFFD, v57;
	v10 =	vsel vm10, v62, v20;
	v30 =	vperm.xlane v12, v2  }
0x57: {  	[tilespmem:s5+$0x410] =	vst v13;
	v27 =	vadd.s32 $0xFFFFFFF6, v61;
	v37 =	vand.u32 $0xFFFFFFFD, v12;
	v43 =	vadd.s32 $0xFFFFFFF7, v61  }
0x58: {  	[tilespmem:s5+$0x420] =	vst v14;
	v44 =	vsel vm2, v42, v11;
	vm2 =	veq.s32 v9, $0x0;
	v10 =	vsel vm11, $0x0, v10  }
0x59: {  	v25 =	vperm.xlane v17, v2;
	vm3 =	vlt.u32 v27, $0x4;
	v32 =	vadd.s32 $0xFFFFFFF6, v63;
	[tilespmem:s7+$0x870] =	vst v10  }
0x5a: {  	v39 =	vand.u32 $0xFFFFFFFD, v17;
	v45 =	vadd.s32 $0xFFFFFFF7, v63;
	vm4 =	veq.s32 v37, $0x0;
	[tilespmem:s5+$0x430] =	vst v59  }
0x5b: {  	v57 =	vsel vm2, $0x0, v0;
	v31 =	vperm.xlane v22, v2;
	vm12 =	vlt.u32 v32, $0x4;
	[tilespmem:s5+$0x440] =	vst v15  }
0x5c: {  	v33 =	vadd.s32 $0xFFFFFFF6, v30;
	v40 =	vand.u32 $0xFFFFFFFD, v22;
	v46 =	vadd.s32 $0xFFFFFFF7, v30;
	[tilespmem:s5+$0x450] =	vst v16  }
0x5d: {  	v3 =	vsel vm3, v43, v61;
	vm3 =	veq.s32 v8, $0x0;
	vm6 =	veq.s32 v39, $0x0;
	[tilespmem:s5+$0x460] =	vst v18  }
0x5e: {  	v34 =	vperm.xlane v24, v2;
	vm13 =	vlt.u32 v33, $0x4;
	v35 =	vadd.s32 $0xFFFFFFF6, v25;
	[tilespmem:s5+$0x470] =	vst v19  }
0x5f: {  	v41 =	vand.u32 $0xFFFFFFFD, v24;
	v47 =	vadd.s32 $0xFFFFFFF7, v25;
	v58 =	vsel vm3, $0x0, v0;
	[tilespmem:s7+$0x410] =	vst v57  }
0x60: {  	v50 =	vsel vm12, v45, v63;
	vm12 =	vmor vm5, vm0;
	v59 =	vsel vm4, $0x0, v0;
	[tilespmem:s7+$0x420] =	vst v58  }
0x61: {  	vm9 =	veq.s32 v40, $0x0;
	v63 =	vsel vm1, $0x0, v0;
	vm14 =	vlt.u32 v35, $0x4;
	[tilespmem:s7+$0x430] =	vst v59  }
0x62: {  	v36 =	vadd.s32 $0xFFFFFFF6, v31;
	v48 =	vadd.s32 $0xFFFFFFF7, v31;
	v52 =	vsel vm12, $0x0, v44;
	[tilespmem:s7+$0x470] =	vst v63  }
0x63: {  	v51 =	vsel vm13, v46, v30;
	vm13 =	vmor vm2, vm0;
	v61 =	vsel vm9, $0x0, v0;
	[tilespmem:s7+$0x800] =	vst v52  }
0x64: {  	v5 =	vsel vm14, v47, v25;
	vm14 =	vmor vm3, vm0;
	v3 =	vsel vm13, $0x0, v3;
	[tilespmem:s7+$0x450] =	vst v61  }
0x65: {  	vm12 =	vmor vm6, vm0;
	vm15 =	vlt.u32 v36, $0x4;
	v8 =	vsel vm14, $0x0, v50;
	[tilespmem:s7+$0x810] =	vst v3  }
0x66: {  	v38 =	vadd.s32 $0xFFFFFFF6, v34;
	vm13 =	veq.s32 v41, $0x0;
	v5 =	vsel vm12, $0x0, v5;
	[tilespmem:s7+$0x820] =	vst v8  }
0x67: {  	v7 =	vsel vm15, v48, v31;
	vm15 =	vmor vm4, vm0;
	v62 =	vsel vm13, $0x0, v0;
	[tilespmem:s7+$0x840] =	vst v5  }
0x68: {  	v49 =	vadd.s32 $0xFFFFFFF7, v34;
	vm14 =	vmor vm9, vm0;
	v53 =	vsel vm15, $0x0, v51;
	[tilespmem:s7+$0x460] =	vst v62  }
0x69: {  	vm8 =	vlt.u32 v38, $0x4;
	vm0 =	vmor vm13, vm0;
	v54 =	vsel vm14, $0x0, v7;
	[tilespmem:s7+$0x830] =	vst v53  }
0x6a: {  	v2 =	vsel vm8, v49, v34;
	vm15 =	veq.s32 v60, v1;
	v60 =	vsel vm6, $0x0, v0;
	[tilespmem:s7+$0x850] =	vst v54  }
0x6b: {  	vm5 =	vmor vm15, vm5;
	v55 =	vsel vm0, $0x0, v2;
	[tilespmem:s7+$0x440] =	vst v60  }
0x6c: {  	s3 =	sadd.s32 s3, s4;
	v56 =	vsel vm5, $0x0, v0;
	[tilespmem:s7+$0x860] =	vst v55  }
0x6d: {  	s26 =	simm.s32 $0x80;
	s28 =	simm.s32 $0x200;
	s29 =	simm.s32 $0x400;
	[tilespmem:s7+$0x400] =	vst v56  }
0x6e: {  	[hbm4b:s3+s26] =	stream.strided.scatter [tilespmem:s29], [sflag:$0x1], $0x400, s28, s26, $0x38;
	[tilespmem:$0xC00] =	vst v63  }
0x6f: {  	s2 =	sadd.s32 s2, s4;
	s30 =	simm.s32 $0x800;
	s31 =	simm.s32 $0x1  }
0x70: {  	[hbm4b:s2+s26] =	stream.strided.scatter [tilespmem:s30], [sflag:$0x1], $0x400, s28, s26, $0x38;
	[tilespmem:$0xC00] =	vst v63  }
0x71: {  	_ =	swait.ge [sflag:s31], $0x400  }
0x72: {  	[sflag:s31] =	ssyncset.done $0x0  }
0x73: {  	[sflag:s31] =	ssyncadd.s32 $0xFFFFFC00  }
0x74: {  	_ =	swait.ge [sflag:s31], $0x400  }
0x75: {  	[sflag:s31] =	ssyncset.done $0x0  }
0x76: {  	[sflag:s31] =	ssyncadd.s32 $0xFFFFFC00  }
0x77: {  	_ =	sfence.sel $0x180000  }
0x78: {  	[bflag:$0x0] =	sbarrier.arrive $0xFFFF  }
0x79: {  	p0 =	sne.s32 s1, $0x0;
	_ =	strace $0x90000047  }
0x7a: {  	s0 =	sadd.s32 @!p0 $0x100000, s0;
	[bflag:$0x2] =	sbarrier.arrive $0xFFFF  }
0x7b: {  	[sflag:s0] =	ssyncadd.tile.s32 @!p0 $0x1;
	_ =	shalt  }
.Lfunc_end2:
_tile_overlayer_lowered:
.L_overlay_start_2:
0x7c: {  	(tag) =	ssettag $0x2  }
0x7d: {  	s0 =	rddreg [dreg:$0x0];
	s2 =	stileid.u32  }
0x7e: {  	s1 =	rddreg [dreg:$0x1];
	p0 =	sne.s32 s2, $0x0  }
0x7f: {  	s3 =	rddreg [dreg:$0x2];
	[bflag:$0x3] =	sbarrier.arrive $0xFFFF;
	s2 =	simm.s32 @!p0 $0x1C02  }
0x80: {  	[timem:s3], [sflag:s2] =	dma.local @!p0 [hbm:s0], s1  }
0x81: {  	s0 =	simm.s32 @!p0 $0x2  }
0x82: {  	_ =	swait.ge @!p0 [sflag:s0], s1  }
0x83: {  	s1 =	ssub.s32 @!p0 $0x0, s1;
	[sflag:s0] =	ssyncset.done @!p0 $0x0  }
0x84: {  	[sflag:s0] =	ssyncadd.s32 @!p0 s1  }
0x85: {  	[bflag:$0x3] =	sbarrier.arrive $0xFFFF  }
0x86: {  	_ =	shalt  }

</sc_bundles>
